<compile_context>
chip_gen: v7x
topology: tpu7x:2x2x1
jax: 0.10.2.dev20260603
libtpu: 0.0.44.dev20260713+nightly
codegen_flags: <defaults>
</compile_context>

<pallas_src>
import functools

import jax
import jax.numpy as jnp
from jax import lax
from jax.experimental import pallas as pl
from jax.experimental.pallas import tpu as pltpu
from jax.experimental.pallas import tpu_sc as plsc

_K = 20
_R = 256
_ITERS = 7
_G = 256
_CH = 128

_SC_CORES = 2
_SC_SUBCORES = 16


def _sc_gather(table, idx):
    n, d = table.shape
    nw = _SC_CORES * _SC_SUBCORES
    bpw = n // nw
    mesh = plsc.VectorSubcoreMesh(core_axis_name="c", subcore_axis_name="s")

    @functools.partial(
        pl.kernel, mesh=mesh,
        out_type=jax.ShapeDtypeStruct((n, d), jnp.float32),
        scratch_types=[
            pltpu.VMEM((bpw,), jnp.int32),
            pltpu.VMEM((bpw, d), jnp.float32),
            pltpu.SemaphoreType.DMA,
        ],
    )
    def gather_kernel(table_hbm, idx_hbm, out_hbm, idx_v, rows_v, sem):
        wid = lax.axis_index("s") * _SC_CORES + lax.axis_index("c")
        base = wid * bpw
        pltpu.sync_copy(idx_hbm.at[pl.ds(base, bpw)], idx_v)
        pltpu.async_copy(table_hbm.at[idx_v], rows_v, sem).wait()
        pltpu.sync_copy(rows_v, out_hbm.at[pl.ds(base, bpw)])

    return gather_kernel(table, idx)


def _body(cnt_ref, feats_ref, sf_ref, ofg_ref, obg_ref, fn_ref, sim_ref):
    sf = sf_ref[...]
    n_rows = fn_ref.shape[0]
    cnt_i = cnt_ref[0, 0]

    @pl.when(pl.program_id(0) == 0)
    def _():
        feats = feats_ref[...]
        qn2 = jnp.sum(feats * feats, axis=1, keepdims=True)
        qn_inv = 1.0 / jnp.maximum(jnp.sqrt(qn2), 1e-12)
        fn_ref[...] = feats * qn_inv

    sim_ref[...] = jax.lax.dot_general(
        fn_ref[...], sf, (((1,), (0,)), ((), ())),
        preferred_element_type=jnp.float32)
    sim = sim_ref[...]

    cnt_f = cnt_i.astype(jnp.float32)
    cnt_b = jnp.float32(n_rows) - cnt_f
    kf = jnp.float32(_K)
    n_f = jnp.minimum(kf, cnt_f)
    n_b = jnp.minimum(kf, cnt_b)

    sn2 = jnp.sum(sf * sf, axis=0, keepdims=True)
    sn = jnp.sqrt(sn2)
    neg = jnp.float32(-jnp.inf)

    rowid = lax.broadcasted_iota(jnp.int32, (n_rows, 1), 0)
    infg = rowid < cnt_i

    zg = sim.reshape(_G, n_rows // _G, _R)
    infg_g = infg.reshape(_G, n_rows // _G, 1)
    gmf = jnp.max(jnp.where(infg_g, zg, neg), axis=1)
    gmb = jnp.max(jnp.where(infg_g, neg, zg), axis=1)
    hi_f = jnp.max(gmf, axis=0, keepdims=True)
    hi_b = jnp.max(gmb, axis=0, keepdims=True)
    pos = jnp.float32(jnp.inf)
    lo_f_raw = jnp.min(jnp.where(gmf > jnp.float32(-1e38), gmf, pos),
                       axis=0, keepdims=True)
    lo_b_raw = jnp.min(jnp.where(gmb > jnp.float32(-1e38), gmb, pos),
                       axis=0, keepdims=True)
    grp = jnp.float32(n_rows // _G)
    ok_f = cnt_f >= kf * grp
    ok_b = cnt_b >= kf * grp
    lo_f = jnp.where(ok_f, jnp.maximum(lo_f_raw, -sn), -sn)
    lo_b = jnp.where(ok_b, jnp.maximum(lo_b_raw, -sn), -sn)

    nchunks = n_rows // _CH
    b_idx = jnp.minimum(cnt_i // _CH, nchunks - 1)
    rowid_ch = lax.broadcasted_iota(jnp.int32, (_CH, 1), 0)

    def it(_, st):
        lo_f, hi_f, lo_b, hi_b = st
        mid_f = 0.5 * (lo_f + hi_f)
        mid_b = 0.5 * (lo_b + hi_b)
        cf = jnp.zeros((1, _R), jnp.float32)
        cb = jnp.zeros((1, _R), jnp.float32)
        zero = jnp.zeros((1, _R), jnp.float32)
        for j in range(nchunks):
            thr = jnp.where(j <= b_idx, mid_f, mid_b)
            slab = sim[j * _CH:(j + 1) * _CH, :]
            part = jnp.sum((slab >= thr).astype(jnp.float32),
                           axis=0, keepdims=True)
            cf = cf + jnp.where(j < b_idx, part, zero)
            cb = cb + jnp.where(j > b_idx, part, zero)
        slab = sim_ref[pl.ds(b_idx * _CH, _CH), :]
        bpred = (rowid_ch + b_idx * _CH) < cnt_i
        gef = (slab >= mid_f) & bpred
        geb = (slab >= mid_b) & jnp.logical_not(bpred)
        cf = cf + jnp.sum(gef.astype(jnp.float32), axis=0, keepdims=True)
        cb = cb + jnp.sum(geb.astype(jnp.float32), axis=0, keepdims=True)
        pf = cf >= n_f
        pb = cb >= n_b
        lo_f = jnp.where(pf, mid_f, lo_f)
        hi_f = jnp.where(pf, hi_f, mid_f)
        lo_b = jnp.where(pb, mid_b, lo_b)
        hi_b = jnp.where(pb, hi_b, mid_b)
        return lo_f, hi_f, lo_b, hi_b

    lo_f, hi_f, lo_b, hi_b = jax.lax.fori_loop(
        0, _ITERS, it, (lo_f, hi_f, lo_b, hi_b))

    gtf = ((sim > lo_f) & infg).astype(jnp.float32)
    gtb = ((sim > lo_b) & jnp.logical_not(infg)).astype(jnp.float32)
    s_f = jnp.sum(gtf * sim, axis=0, keepdims=True)
    s_b = jnp.sum(gtb * sim, axis=0, keepdims=True)
    cgf = jnp.sum(gtf, axis=0, keepdims=True)
    cgb = jnp.sum(gtb, axis=0, keepdims=True)

    t_f = jnp.where(lo_f > jnp.float32(-1e38), lo_f, 0.0)
    t_b = jnp.where(lo_b > jnp.float32(-1e38), lo_b, 0.0)
    res_f = jnp.where(n_f > 0,
                      (s_f + (n_f - cgf) * t_f) / jnp.maximum(n_f, 1.0), 0.0)
    res_b = jnp.where(n_b > 0,
                      (s_b + (n_b - cgb) * t_b) / jnp.maximum(n_b, 1.0), 0.0)

    sn_inv = 1.0 / jnp.maximum(sn, 1e-12)
    ofg_ref[...] = (res_f * sn_inv).reshape(1, 1, _R)
    obg_ref[...] = (res_b * sn_inv).reshape(1, 1, _R)


@functools.partial(jax.jit, static_argnums=())
def kernel(query_label, color, q_feat, s_feat):
    Hq, Wq = int(q_feat.shape[2]), int(q_feat.shape[3])
    C = int(q_feat.shape[1])
    N = Hq * Wq
    Hs, Ws = int(s_feat.shape[2]), int(s_feat.shape[3])
    M = Hs * Ws

    feats = q_feat.reshape(C, N).T
    sfm = s_feat.reshape(C, M)

    mask = (query_label.reshape(N, 3) == color[None, :]).all(-1)
    perm = jnp.argsort(jnp.logical_not(mask)).astype(jnp.int32)
    cnt = jnp.sum(mask, dtype=jnp.int32).reshape(1, 1)

    fperm = _sc_gather(feats, perm)

    nblk = M // _R
    out_shape = jax.ShapeDtypeStruct((nblk, 1, _R), jnp.float32)
    ofg, obg = pl.pallas_call(
        _body,
        grid=(nblk,),
        in_specs=[
            pl.BlockSpec(memory_space=pltpu.SMEM),
            pl.BlockSpec((N, C), lambda i: (0, 0)),
            pl.BlockSpec((C, _R), lambda i: (0, i)),
        ],
        out_specs=[
            pl.BlockSpec((1, 1, _R), lambda i: (i, 0, 0)),
            pl.BlockSpec((1, 1, _R), lambda i: (i, 0, 0)),
        ],
        out_shape=[out_shape, out_shape],
        scratch_shapes=[pltpu.VMEM((N, C), jnp.float32),
                        pltpu.VMEM((N, _R), jnp.float32)],
    )(cnt, fperm, sfm)

    return (ofg.reshape(Hs, Ws), obg.reshape(Hs, Ws))

# --- scband reference (transcript-rebuilt; emitter-appended) ---
"""Pipeline reference for scband-matching-layer-33122787787582 (READ-ONLY COPY).

The authoritative reference and input builder live on the scoring server;
editing this copy changes nothing except your own understanding.
"""

import jax, jax.numpy as jnp
import numpy as np

K = 20


def setup_inputs(seed: int = 0) -> dict:
    key = jax.random.key(seed)
    k1, k2, k3 = jax.random.split(key, 3)
    query_label = jax.random.randint(k1, (64, 64, 3), 0, 2, dtype=jnp.int32)
    color = jnp.zeros((3,), dtype=jnp.int32)
    q_feat = jax.random.normal(k2, (1, 384, 64, 64), dtype=jnp.float32)
    s_feat = jax.random.normal(k3, (1, 384, 64, 64), dtype=jnp.float32)
    return {"query_label": query_label, "color": color, "q_feat": q_feat, "s_feat": s_feat}


def _resize_mask_nearest(mask, Hq, Wq):
    if mask.shape == (Hq, Wq):
        return mask
    ri = (np.arange(Hq) * mask.shape[0]) // Hq
    ci = (np.arange(Wq) * mask.shape[1]) // Wq
    return mask[ri][:, ci]


def _l2norm(x, eps=1e-12):
    n = jnp.linalg.norm(x, ord=2, axis=1, keepdims=True)
    return x / jnp.maximum(n, eps)


def reference(query_label, color, q_feat, s_feat):
    # mask = (query_label == color).all(-1), resized (nearest) to q_feat spatial dims
    mask = (query_label == color[None, None, :]).all(-1)
    Hq, Wq = int(q_feat.shape[2]), int(q_feat.shape[3])
    mask = _resize_mask_nearest(mask, Hq, Wq)
    mask_flat = mask.reshape(-1)

    C = int(q_feat.shape[1])
    feats = jnp.transpose(q_feat[0], (1, 2, 0)).reshape(-1, C)
    s2 = jnp.transpose(s_feat, (0, 2, 3, 1)).reshape(-1, C)
    s_norm = _l2norm(s2)
    out_hw = (int(s_feat.shape[2]), int(s_feat.shape[3]))

    feats_norm = _l2norm(feats)
    sim_full = s_norm @ feats_norm.T

    def score(m):
        cnt = jnp.sum(m.astype(jnp.int32))
        simm = jnp.where(m[None, :], sim_full, -jnp.inf)
        topk = -jnp.sort(-simm, axis=1)[:, :K]
        n = jnp.minimum(jnp.asarray(K, dtype=cnt.dtype), cnt)
        valid = jnp.arange(K) < n
        vals = jnp.where(valid[None, :], topk, jnp.zeros((), dtype=q_feat.dtype))
        denom = jnp.maximum(n, 1).astype(q_feat.dtype)
        res = jnp.sum(vals, axis=1) / denom
        res = jnp.where(cnt > 0, res, jnp.zeros((), dtype=q_feat.dtype))
        return res.reshape(out_hw).astype(q_feat.dtype)

    return (score(mask_flat), score(~mask_flat))

if __name__ == "__main__":
    import jax
    _d = setup_inputs()
    print(jax.jit(kernel)(*tuple(_d.values())))

</pallas_src>

<mosaic_0001>
#map = affine_map<(d0, d1) -> (0, 0)>
#map1 = affine_map<(d0, d1) -> (0)>
module attributes {stable_mosaic.version = 14 : i64} {
  func.func @gather_kernel(%arg0: i32, %arg1: i32, %arg2: memref<4096x384xf32, #tpu.memory_space<hbm>>, %arg3: memref<4096xi32, #tpu.memory_space<hbm>>, %arg4: memref<4096x384xf32, #tpu.memory_space<hbm>>, %arg5: memref<128xi32, #tpu.memory_space<vmem>>, %arg6: memref<128x384xf32, #tpu.memory_space<vmem>>, %arg7: memref<!tpu.dma_semaphore, #tpu.memory_space<semaphore_mem>>) attributes {dimension_semantics = [#tpu.dimension_semantics<core_parallel>, #tpu.dimension_semantics<subcore_parallel>], iteration_bounds = array<i64: 2, 16>, scalar_prefetch = 0 : i64, scratch_operands = 3 : i64, tpu.core_type = #tpu.core_type<sc_vector_subcore>, window_params = [{transform_indices = #map}, {transform_indices = #map1}, {transform_indices = #map}]} {
    %mul3A = arith.constant 2 : i32
    %mul3A_0 = arith.muli %arg1, %mul3A : i32
    %add3A = arith.addi %mul3A_0, %arg0 : i32
    %mul3A_1 = arith.constant 128 : i32
    %mul3A_2 = arith.muli %add3A, %mul3A_1 : i32
    "tpu.region"() ({
      %run_scoped3A = tpu.sem_alloc : memref<!tpu.dma_semaphore, #tpu.memory_space<semaphore_mem>>
      %dma_start3A_7 = tpu.memref_slice %arg3[%mul3A_2] : memref<4096xi32, #tpu.memory_space<hbm>> -> memref<128xi32, #tpu.memory_space<hbm>>
      %dma_start3A_8 = tpu.memref_slice %arg3[%mul3A_2] : memref<4096xi32, #tpu.memory_space<hbm>> -> memref<128xi32, #tpu.memory_space<hbm>>
      tpu.enqueue_dma source(%dma_start3A_8 : memref<128xi32, #tpu.memory_space<hbm>>) target(%arg5 : memref<128xi32, #tpu.memory_space<vmem>>) target_semaphore(%run_scoped3A : memref<!tpu.dma_semaphore, #tpu.memory_space<semaphore_mem>>)
      %dma_wait3A_9 = tpu.memref_slice %arg3[%mul3A_2] : memref<4096xi32, #tpu.memory_space<hbm>> -> memref<128xi32, #tpu.memory_space<hbm>>
      %dma_wait3A_10 = tpu.memref_slice %arg3[%mul3A_2] : memref<4096xi32, #tpu.memory_space<hbm>> -> memref<128xi32, #tpu.memory_space<hbm>>
      tpu.wait_dma2 semaphore(%run_scoped3A : memref<!tpu.dma_semaphore, #tpu.memory_space<semaphore_mem>>) src(%dma_wait3A_10 : memref<128xi32, #tpu.memory_space<hbm>>) dst(%arg5 : memref<128xi32, #tpu.memory_space<vmem>>)
      tpu.yield
    }) : () -> ()
    %dma_start3A = arith.constant 0 : i32
    %dma_start3A_3 = arith.constant 0 : i32
    %dma_start3A_4 = tpu.memref_slice %arg2[%dma_start3A, %dma_start3A_3] : memref<4096x384xf32, #tpu.memory_space<hbm>> -> memref<4096x384xf32, #tpu.memory_space<hbm>>
    tpu.enqueue_indirect_dma source(%dma_start3A_4 : memref<4096x384xf32, #tpu.memory_space<hbm>>) target(%arg6 : memref<128x384xf32, #tpu.memory_space<vmem>>) offsets(%arg5 : memref<128xi32, #tpu.memory_space<vmem>>) semaphore(%arg7 : memref<!tpu.dma_semaphore, #tpu.memory_space<semaphore_mem>>)
    %dma_wait3A = arith.constant 0 : i32
    %dma_wait3A_5 = arith.constant 0 : i32
    %dma_wait3A_6 = tpu.memref_slice %arg2[%dma_wait3A, %dma_wait3A_5] : memref<4096x384xf32, #tpu.memory_space<hbm>> -> memref<4096x384xf32, #tpu.memory_space<hbm>>
    tpu.wait_indirect_dma semaphore(%arg7 : memref<!tpu.dma_semaphore, #tpu.memory_space<semaphore_mem>>) src(%dma_wait3A_6 : memref<4096x384xf32, #tpu.memory_space<hbm>>) dst(%arg6 : memref<128x384xf32, #tpu.memory_space<vmem>>)
    "tpu.region"() ({
      %run_scoped3A = tpu.sem_alloc : memref<!tpu.dma_semaphore, #tpu.memory_space<semaphore_mem>>
      %dma_start3A_7 = arith.constant 0 : i32
      %dma_start3A_8 = tpu.memref_slice %arg4[%mul3A_2, %dma_start3A_7] : memref<4096x384xf32, #tpu.memory_space<hbm>> -> memref<128x384xf32, #tpu.memory_space<hbm>>
      %dma_start3A_9 = arith.constant 0 : i32
      %dma_start3A_10 = tpu.memref_slice %arg4[%mul3A_2, %dma_start3A_9] : memref<4096x384xf32, #tpu.memory_space<hbm>> -> memref<128x384xf32, #tpu.memory_space<hbm>>
      tpu.enqueue_dma source(%arg6 : memref<128x384xf32, #tpu.memory_space<vmem>>) target(%dma_start3A_10 : memref<128x384xf32, #tpu.memory_space<hbm>>) target_semaphore(%run_scoped3A : memref<!tpu.dma_semaphore, #tpu.memory_space<semaphore_mem>>)
      %dma_wait3A_11 = arith.constant 0 : i32
      %dma_wait3A_12 = tpu.memref_slice %arg4[%mul3A_2, %dma_wait3A_11] : memref<4096x384xf32, #tpu.memory_space<hbm>> -> memref<128x384xf32, #tpu.memory_space<hbm>>
      %dma_wait3A_13 = arith.constant 0 : i32
      %dma_wait3A_14 = tpu.memref_slice %arg4[%mul3A_2, %dma_wait3A_13] : memref<4096x384xf32, #tpu.memory_space<hbm>> -> memref<128x384xf32, #tpu.memory_space<hbm>>
      tpu.wait_dma2 semaphore(%run_scoped3A : memref<!tpu.dma_semaphore, #tpu.memory_space<semaphore_mem>>) src(%arg6 : memref<128x384xf32, #tpu.memory_space<vmem>>) dst(%dma_wait3A_14 : memref<128x384xf32, #tpu.memory_space<hbm>>)
      tpu.yield
    }) : () -> ()
    return
  }
}

module attributes {stable_mosaic.version = 14 : i64} {
  func.func @_body(%arg0: i32, %arg1: memref<1x1xi32, #tpu.memory_space<smem>>, %arg2: memref<4096x384xf32, #tpu.memory_space<vmem>>, %arg3: memref<384x256xf32, #tpu.memory_space<vmem>>, %arg4: memref<1x1x256xf32, #tpu.memory_space<vmem>>, %arg5: memref<1x1x256xf32, #tpu.memory_space<vmem>>, %arg6: memref<4096x384xf32, #tpu.memory_space<vmem>>, %arg7: memref<4096x256xf32, #tpu.memory_space<vmem>>) attributes {dimension_semantics = [#tpu.dimension_semantics<arbitrary>], iteration_bounds = array<i64: 16>, scalar_prefetch = 0 : i64, scratch_operands = 2 : i64, tpu.core_type = #tpu.core_type<tc>, window_params = [{transform_indices = @transform_0, window_bounds = array<i64: 1, 1>}, {pipeline_mode = #tpu.pipeline_mode<synchronous>, transform_indices = @transform_1, window_bounds = array<i64: 4096, 384>}, {transform_indices = @transform_2, window_bounds = array<i64: 384, 256>}, {transform_indices = @transform_3, window_bounds = array<i64: 1, 1, 256>}, {transform_indices = @transform_4, window_bounds = array<i64: 1, 1, 256>}]} {
    %get3A = arith.constant 0 : index
    %get3A_0 = arith.constant 0 : index
    %get3A_1 = vector.load %arg3[%get3A, %get3A_0] : memref<384x256xf32, #tpu.memory_space<vmem>>, vector<384x256xf32>
    %get3A_2 = arith.constant 0 : index
    %get3A_3 = arith.constant 0 : index
    %get3A_4 = memref.load %arg1[%get3A_2, %get3A_3] : memref<1x1xi32, #tpu.memory_space<smem>>
    %eq3A = arith.constant 0 : i32
    %eq3A_5 = arith.cmpi eq, %arg0, %eq3A : i32
    %convert_element_type3A = arith.extui %eq3A_5 : i1 to i32
    %cond3A = arith.constant 0 : i32
    %cond3A_6 = arith.cmpi ne, %convert_element_type3A, %cond3A : i32
    scf.if %cond3A_6 {
      %get3A_186 = arith.constant 0 : index
      %get3A_187 = arith.constant 0 : index
      %get3A_188 = vector.load %arg2[%get3A_186, %get3A_187] : memref<4096x384xf32, #tpu.memory_space<vmem>>, vector<4096x384xf32>
      %mul3A_189 = arith.mulf %get3A_188, %get3A_188 : vector<4096x384xf32>
      %reduce_sum3A_190 = arith.constant dense<0.000000e+00> : vector<4096xf32>
      %reduce_sum3A_191 = vector.multi_reduction <add>, %mul3A_189, %reduce_sum3A_190 [1] : vector<4096x384xf32> to vector<4096xf32>
      %broadcast_in_dim3A_192 = vector.shape_cast %reduce_sum3A_191 : vector<4096xf32> to vector<4096x1xf32>
      %sqrt3A_193 = math.sqrt %broadcast_in_dim3A_192 : vector<4096x1xf32>
      %max3A_194 = arith.constant 9.99999996E-13 : f32
      %max3A_195 = vector.broadcast %max3A_194 : f32 to vector<4096x1xf32>
      %max3A_196 = arith.maximumf %sqrt3A_193, %max3A_195 : vector<4096x1xf32>
      %div3A_197 = arith.constant 1.000000e+00 : f32
      %div3A_198 = vector.broadcast %div3A_197 : f32 to vector<4096x1xf32>
      %div3A_199 = arith.divf %div3A_198, %max3A_196 : vector<4096x1xf32>
      %mul3A_200 = vector.broadcast %div3A_199 : vector<4096x1xf32> to vector<4096x384xf32>
      %mul3A_201 = arith.mulf %get3A_188, %mul3A_200 : vector<4096x384xf32>
      %swap3A_202 = arith.constant 0 : index
      %swap3A_203 = arith.constant 0 : index
      %swap3A_204 = vector.load %arg6[%swap3A_202, %swap3A_203] : memref<4096x384xf32, #tpu.memory_space<vmem>>, vector<4096x384xf32>
      tpu.vector_store %arg6[%swap3A_202, %swap3A_203], %mul3A_201 {strides = array<i32>} : memref<4096x384xf32, #tpu.memory_space<vmem>>, vector<4096x384xf32>,
    } else {
    }
    %get3A_7 = arith.constant 0 : index
    %get3A_8 = arith.constant 0 : index
    %get3A_9 = vector.load %arg6[%get3A_7, %get3A_8] : memref<4096x384xf32, #tpu.memory_space<vmem>>, vector<4096x384xf32>
    %dot_general3A = arith.constant dense<0.000000e+00> : vector<4096x256xf32>
    %dot_general3A_10 = tpu.matmul %get3A_9, %get3A_1, %dot_general3A {dimension_numbers = #tpu.dot_dimension_numbers<[1], [0], [0], [1], [0, 0, 1, 1], [], []>, transpose_lhs_hint = false} : vector<4096x384xf32>, vector<384x256xf32>, vector<4096x256xf32> -> vector<4096x256xf32>
    %swap3A = arith.constant 0 : index
    %swap3A_11 = arith.constant 0 : index
    %swap3A_12 = vector.load %arg7[%swap3A, %swap3A_11] : memref<4096x256xf32, #tpu.memory_space<vmem>>, vector<4096x256xf32>
    tpu.vector_store %arg7[%swap3A, %swap3A_11], %dot_general3A_10 {strides = array<i32>} : memref<4096x256xf32, #tpu.memory_space<vmem>>, vector<4096x256xf32>,
    %get3A_13 = arith.constant 0 : index
    %get3A_14 = arith.constant 0 : index
    %get3A_15 = vector.load %arg7[%get3A_13, %get3A_14] : memref<4096x256xf32, #tpu.memory_space<vmem>>, vector<4096x256xf32>
    %convert_element_type3A_16 = arith.sitofp %get3A_4 : i32 to f32
    %sub3A = arith.constant 4.096000e+03 : f32
    %sub3A_17 = arith.subf %sub3A, %convert_element_type3A_16 : f32
    %min3A = arith.constant 2.000000e+01 : f32
    %min3A_18 = arith.minimumf %min3A, %convert_element_type3A_16 : f32
    %min3A_19 = arith.constant 2.000000e+01 : f32
    %min3A_20 = arith.minimumf %min3A_19, %sub3A_17 : f32
    %mul3A = arith.mulf %get3A_1, %get3A_1 : vector<384x256xf32>
    %reduce_sum3A = arith.constant dense<0.000000e+00> : vector<256xf32>
    %reduce_sum3A_21 = vector.multi_reduction <add>, %mul3A, %reduce_sum3A [0] : vector<384x256xf32> to vector<256xf32>
    %broadcast_in_dim3A = vector.shape_cast %reduce_sum3A_21 : vector<256xf32> to vector<1x256xf32>
    %sqrt3A = math.sqrt %broadcast_in_dim3A : vector<1x256xf32>
    %iota3A = tpu.iota {dimensions = array<i32: 0>} : vector<4096x1xi32>
    %lt3A = vector.broadcast %get3A_4 : i32 to vector<4096x1xi32>
    %lt3A_22 = arith.cmpi slt, %iota3A, %lt3A : vector<4096x1xi32>
    %reshape3A = vector.shape_cast %get3A_15 : vector<4096x256xf32> to vector<256x16x256xf32>
    %reshape3A_23 = vector.shape_cast %lt3A_22 : vector<4096x1xi1> to vector<256x16x1xi1>
    %jit3A = arith.constant 0xFF800000 : f32
    %broadcast_in_dim3A_24 = vector.shape_cast %reshape3A_23 : vector<256x16x1xi1> to vector<256x16x1xi1>
    %broadcast_in_dim3A_25 = vector.broadcast %broadcast_in_dim3A_24 : vector<256x16x1xi1> to vector<256x16x256xi1>
    %broadcast_in_dim3A_26 = vector.broadcast %jit3A : f32 to vector<256x16x256xf32>
    %select_n3A = arith.select %broadcast_in_dim3A_25, %reshape3A, %broadcast_in_dim3A_26 : vector<256x16x256xi1>, vector<256x16x256xf32>
    %reduce_max3A = arith.constant dense<0xFF800000> : vector<256x256xf32>
    %reduce_max3A_27 = vector.multi_reduction <maximumf>, %select_n3A, %reduce_max3A [1] : vector<256x16x256xf32> to vector<256x256xf32>
    %jit3A_28 = arith.constant 0xFF800000 : f32
    %broadcast_in_dim3A_29 = vector.shape_cast %reshape3A_23 : vector<256x16x1xi1> to vector<256x16x1xi1>
    %broadcast_in_dim3A_30 = vector.broadcast %broadcast_in_dim3A_29 : vector<256x16x1xi1> to vector<256x16x256xi1>
    %broadcast_in_dim3A_31 = vector.broadcast %jit3A_28 : f32 to vector<256x16x256xf32>
    %select_n3A_32 = arith.select %broadcast_in_dim3A_30, %broadcast_in_dim3A_31, %reshape3A : vector<256x16x256xi1>, vector<256x16x256xf32>
    %reduce_max3A_33 = arith.constant dense<0xFF800000> : vector<256x256xf32>
    %reduce_max3A_34 = vector.multi_reduction <maximumf>, %select_n3A_32, %reduce_max3A_33 [1] : vector<256x16x256xf32> to vector<256x256xf32>
    %reduce_max3A_35 = arith.constant dense<0xFF800000> : vector<256xf32>
    %reduce_max3A_36 = vector.multi_reduction <maximumf>, %reduce_max3A_27, %reduce_max3A_35 [0] : vector<256x256xf32> to vector<256xf32>
    %broadcast_in_dim3A_37 = vector.shape_cast %reduce_max3A_36 : vector<256xf32> to vector<1x256xf32>
    %reduce_max3A_38 = arith.constant dense<0xFF800000> : vector<256xf32>
    %reduce_max3A_39 = vector.multi_reduction <maximumf>, %reduce_max3A_34, %reduce_max3A_38 [0] : vector<256x256xf32> to vector<256xf32>
    %broadcast_in_dim3A_40 = vector.shape_cast %reduce_max3A_39 : vector<256xf32> to vector<1x256xf32>
    %gt3A = arith.constant -9.99999968E+37 : f32
    %gt3A_41 = vector.broadcast %gt3A : f32 to vector<256x256xf32>
    %gt3A_42 = arith.cmpf ogt, %reduce_max3A_27, %gt3A_41 : vector<256x256xf32>
    %jit3A_43 = arith.constant 0x7F800000 : f32
    %broadcast_in_dim3A_44 = vector.broadcast %jit3A_43 : f32 to vector<256x256xf32>
    %select_n3A_45 = arith.select %gt3A_42, %reduce_max3A_27, %broadcast_in_dim3A_44 : vector<256x256xi1>, vector<256x256xf32>
    %reduce_min3A = arith.constant dense<0x7F800000> : vector<256xf32>
    %reduce_min3A_46 = vector.multi_reduction <minimumf>, %select_n3A_45, %reduce_min3A [0] : vector<256x256xf32> to vector<256xf32>
    %broadcast_in_dim3A_47 = vector.shape_cast %reduce_min3A_46 : vector<256xf32> to vector<1x256xf32>
    %gt3A_48 = arith.constant -9.99999968E+37 : f32
    %gt3A_49 = vector.broadcast %gt3A_48 : f32 to vector<256x256xf32>
    %gt3A_50 = arith.cmpf ogt, %reduce_max3A_34, %gt3A_49 : vector<256x256xf32>
    %jit3A_51 = arith.constant 0x7F800000 : f32
    %broadcast_in_dim3A_52 = vector.broadcast %jit3A_51 : f32 to vector<256x256xf32>
    %select_n3A_53 = arith.select %gt3A_50, %reduce_max3A_34, %broadcast_in_dim3A_52 : vector<256x256xi1>, vector<256x256xf32>
    %reduce_min3A_54 = arith.constant dense<0x7F800000> : vector<256xf32>
    %reduce_min3A_55 = vector.multi_reduction <minimumf>, %select_n3A_53, %reduce_min3A_54 [0] : vector<256x256xf32> to vector<256xf32>
    %broadcast_in_dim3A_56 = vector.shape_cast %reduce_min3A_55 : vector<256xf32> to vector<1x256xf32>
    %mul3A_57 = arith.constant 2.000000e+01 : f32
    %mul3A_58 = arith.constant 1.600000e+01 : f32
    %mul3A_59 = arith.mulf %mul3A_57, %mul3A_58 : f32
    %ge3A = arith.cmpf oge, %convert_element_type3A_16, %mul3A_59 : f32
    %mul3A_60 = arith.constant 2.000000e+01 : f32
    %mul3A_61 = arith.constant 1.600000e+01 : f32
    %mul3A_62 = arith.mulf %mul3A_60, %mul3A_61 : f32
    %ge3A_63 = arith.cmpf oge, %sub3A_17, %mul3A_62 : f32
    %neg3A = arith.constant 0.000000e+00 : f32
    %neg3A_64 = vector.broadcast %neg3A : f32 to vector<1x256xf32>
    %neg3A_65 = arith.subf %neg3A_64, %sqrt3A : vector<1x256xf32>
    %max3A = arith.maximumf %broadcast_in_dim3A_47, %neg3A_65 : vector<1x256xf32>
    %neg3A_66 = arith.constant 0.000000e+00 : f32
    %neg3A_67 = vector.broadcast %neg3A_66 : f32 to vector<1x256xf32>
    %neg3A_68 = arith.subf %neg3A_67, %sqrt3A : vector<1x256xf32>
    %select_n3A_69 = arith.select %ge3A, %max3A, %neg3A_68 : vector<1x256xf32>
    %neg3A_70 = arith.constant 0.000000e+00 : f32
    %neg3A_71 = vector.broadcast %neg3A_70 : f32 to vector<1x256xf32>
    %neg3A_72 = arith.subf %neg3A_71, %sqrt3A : vector<1x256xf32>
    %max3A_73 = arith.maximumf %broadcast_in_dim3A_56, %neg3A_72 : vector<1x256xf32>
    %neg3A_74 = arith.constant 0.000000e+00 : f32
    %neg3A_75 = vector.broadcast %neg3A_74 : f32 to vector<1x256xf32>
    %neg3A_76 = arith.subf %neg3A_75, %sqrt3A : vector<1x256xf32>
    %select_n3A_77 = arith.select %ge3A_63, %max3A_73, %neg3A_76 : vector<1x256xf32>
    %jit3A_78 = arith.constant 128 : i32
    %div3A = arith.divsi %get3A_4, %jit3A_78 : i32
    %sign3A = arith.constant 0 : i32
    %sign3A_79 = arith.cmpi sgt, %get3A_4, %sign3A : i32
    %sign3A_80 = arith.extui %sign3A_79 : i1 to i32
    %sign3A_81 = arith.constant 0 : i32
    %sign3A_82 = arith.cmpi slt, %get3A_4, %sign3A_81 : i32
    %sign3A_83 = arith.extui %sign3A_82 : i1 to i32
    %sign3A_84 = arith.subi %sign3A_80, %sign3A_83 : i32
    %sign3A_85 = arith.constant 0 : i32
    %sign3A_86 = arith.cmpi sgt, %jit3A_78, %sign3A_85 : i32
    %sign3A_87 = arith.extui %sign3A_86 : i1 to i32
    %sign3A_88 = arith.constant 0 : i32
    %sign3A_89 = arith.cmpi slt, %jit3A_78, %sign3A_88 : i32
    %sign3A_90 = arith.extui %sign3A_89 : i1 to i32
    %sign3A_91 = arith.subi %sign3A_87, %sign3A_90 : i32
    %ne3A = arith.cmpi ne, %sign3A_84, %sign3A_91 : i32
    %rem3A = arith.remsi %get3A_4, %jit3A_78 : i32
    %ne3A_92 = arith.constant 0 : i32
    %ne3A_93 = arith.cmpi ne, %rem3A, %ne3A_92 : i32
    %and3A = arith.andi %ne3A, %ne3A_93 : i1
    %sub3A_94 = arith.constant 1 : i32
    %sub3A_95 = arith.subi %div3A, %sub3A_94 : i32
    %select_n3A_96 = arith.select %and3A, %sub3A_95, %div3A : i32
    %min3A_97 = arith.constant 31 : i32
    %min3A_98 = arith.minsi %select_n3A_96, %min3A_97 : i32
    %iota3A_99 = tpu.iota {dimensions = array<i32: 0>} : vector<128x1xi32>
    %scan3A = arith.constant 0 : i32
    %scan3A_100 = arith.constant 7 : i32
    %scan3A_101 = arith.addi %scan3A, %scan3A_100 : i32
    %scan3A_102 = arith.constant 1 : i32
    %scan3A_103:4 = scf.for %scan3A_186 = %scan3A to %scan3A_101 step %scan3A_102 iter_args(%scan3A_187 = %select_n3A_69, %scan3A_188 = %broadcast_in_dim3A_37, %scan3A_189 = %select_n3A_77, %scan3A_190 = %broadcast_in_dim3A_40) -> (vector<1x256xf32>, vector<1x256xf32>, vector<1x256xf32>, vector<1x256xf32>)  : i32 {
      %add3A_191 = arith.addf %scan3A_187, %scan3A_188 : vector<1x256xf32>
      %mul3A_192 = arith.constant 5.000000e-01 : f32
      %mul3A_193 = vector.broadcast %mul3A_192 : f32 to vector<1x256xf32>
      %mul3A_194 = arith.mulf %mul3A_193, %add3A_191 : vector<1x256xf32>
      %add3A_195 = arith.addf %scan3A_189, %scan3A_190 : vector<1x256xf32>
      %mul3A_196 = arith.constant 5.000000e-01 : f32
      %mul3A_197 = vector.broadcast %mul3A_196 : f32 to vector<1x256xf32>
      %mul3A_198 = arith.mulf %mul3A_197, %add3A_195 : vector<1x256xf32>
      %broadcast_in_dim3A_199 = arith.constant 0.000000e+00 : f32
      %broadcast_in_dim3A_200 = vector.broadcast %broadcast_in_dim3A_199 : f32 to vector<1x256xf32>
      %broadcast_in_dim3A_201 = arith.constant 0.000000e+00 : f32
      %broadcast_in_dim3A_202 = vector.broadcast %broadcast_in_dim3A_201 : f32 to vector<1x256xf32>
      %broadcast_in_dim3A_203 = arith.constant 0.000000e+00 : f32
      %broadcast_in_dim3A_204 = vector.broadcast %broadcast_in_dim3A_203 : f32 to vector<1x256xf32>
      %ge3A_205 = arith.constant 0 : i32
      %ge3A_206 = arith.cmpi sge, %min3A_98, %ge3A_205 : i32
      %select_n3A_207 = arith.select %ge3A_206, %mul3A_194, %mul3A_198 : vector<1x256xf32>
      %slice3A = vector.extract_strided_slice %get3A_15 {offsets = [0, 0], sizes = [128, 256], strides = [1, 1]} : vector<4096x256xf32> to vector<128x256xf32>
      %ge3A_208 = vector.broadcast %select_n3A_207 : vector<1x256xf32> to vector<128x256xf32>
      %ge3A_209 = arith.cmpf oge, %slice3A, %ge3A_208 : vector<128x256xf32>
      %convert_element_type3A_210 = arith.extui %ge3A_209 : vector<128x256xi1> to vector<128x256xi32>
      %convert_element_type3A_211 = arith.sitofp %convert_element_type3A_210 : vector<128x256xi32> to vector<128x256xf32>
      %reduce_sum3A_212 = arith.constant dense<0.000000e+00> : vector<256xf32>
      %reduce_sum3A_213 = vector.multi_reduction <add>, %convert_element_type3A_211, %reduce_sum3A_212 [0] : vector<128x256xf32> to vector<256xf32>
      %broadcast_in_dim3A_214 = vector.shape_cast %reduce_sum3A_213 : vector<256xf32> to vector<1x256xf32>
      %gt3A_215 = arith.constant 0 : i32
      %gt3A_216 = arith.cmpi sgt, %min3A_98, %gt3A_215 : i32
      %select_n3A_217 = arith.select %gt3A_216, %broadcast_in_dim3A_214, %broadcast_in_dim3A_204 : vector<1x256xf32>
      %add3A_218 = arith.addf %broadcast_in_dim3A_200, %select_n3A_217 : vector<1x256xf32>
      %lt3A_219 = arith.constant 0 : i32
      %lt3A_220 = arith.cmpi slt, %min3A_98, %lt3A_219 : i32
      %select_n3A_221 = arith.select %lt3A_220, %broadcast_in_dim3A_214, %broadcast_in_dim3A_204 : vector<1x256xf32>
      %add3A_222 = arith.addf %broadcast_in_dim3A_202, %select_n3A_221 : vector<1x256xf32>
      %ge3A_223 = arith.constant 1 : i32
      %ge3A_224 = arith.cmpi sge, %min3A_98, %ge3A_223 : i32
      %select_n3A_225 = arith.select %ge3A_224, %mul3A_194, %mul3A_198 : vector<1x256xf32>
      %slice3A_226 = vector.extract_strided_slice %get3A_15 {offsets = [128, 0], sizes = [128, 256], strides = [1, 1]} : vector<4096x256xf32> to vector<128x256xf32>
      %ge3A_227 = vector.broadcast %select_n3A_225 : vector<1x256xf32> to vector<128x256xf32>
      %ge3A_228 = arith.cmpf oge, %slice3A_226, %ge3A_227 : vector<128x256xf32>
      %convert_element_type3A_229 = arith.extui %ge3A_228 : vector<128x256xi1> to vector<128x256xi32>
      %convert_element_type3A_230 = arith.sitofp %convert_element_type3A_229 : vector<128x256xi32> to vector<128x256xf32>
      %reduce_sum3A_231 = arith.constant dense<0.000000e+00> : vector<256xf32>
      %reduce_sum3A_232 = vector.multi_reduction <add>, %convert_element_type3A_230, %reduce_sum3A_231 [0] : vector<128x256xf32> to vector<256xf32>
      %broadcast_in_dim3A_233 = vector.shape_cast %reduce_sum3A_232 : vector<256xf32> to vector<1x256xf32>
      %gt3A_234 = arith.constant 1 : i32
      %gt3A_235 = arith.cmpi sgt, %min3A_98, %gt3A_234 : i32
      %select_n3A_236 = arith.select %gt3A_235, %broadcast_in_dim3A_233, %broadcast_in_dim3A_204 : vector<1x256xf32>
      %add3A_237 = arith.addf %add3A_218, %select_n3A_236 : vector<1x256xf32>
      %lt3A_238 = arith.constant 1 : i32
      %lt3A_239 = arith.cmpi slt, %min3A_98, %lt3A_238 : i32
      %select_n3A_240 = arith.select %lt3A_239, %broadcast_in_dim3A_233, %broadcast_in_dim3A_204 : vector<1x256xf32>
      %add3A_241 = arith.addf %add3A_222, %select_n3A_240 : vector<1x256xf32>
      %ge3A_242 = arith.constant 2 : i32
      %ge3A_243 = arith.cmpi sge, %min3A_98, %ge3A_242 : i32
      %select_n3A_244 = arith.select %ge3A_243, %mul3A_194, %mul3A_198 : vector<1x256xf32>
      %slice3A_245 = vector.extract_strided_slice %get3A_15 {offsets = [256, 0], sizes = [128, 256], strides = [1, 1]} : vector<4096x256xf32> to vector<128x256xf32>
      %ge3A_246 = vector.broadcast %select_n3A_244 : vector<1x256xf32> to vector<128x256xf32>
      %ge3A_247 = arith.cmpf oge, %slice3A_245, %ge3A_246 : vector<128x256xf32>
      %convert_element_type3A_248 = arith.extui %ge3A_247 : vector<128x256xi1> to vector<128x256xi32>
      %convert_element_type3A_249 = arith.sitofp %convert_element_type3A_248 : vector<128x256xi32> to vector<128x256xf32>
      %reduce_sum3A_250 = arith.constant dense<0.000000e+00> : vector<256xf32>
      %reduce_sum3A_251 = vector.multi_reduction <add>, %convert_element_type3A_249, %reduce_sum3A_250 [0] : vector<128x256xf32> to vector<256xf32>
      %broadcast_in_dim3A_252 = vector.shape_cast %reduce_sum3A_251 : vector<256xf32> to vector<1x256xf32>
      %gt3A_253 = arith.constant 2 : i32
      %gt3A_254 = arith.cmpi sgt, %min3A_98, %gt3A_253 : i32
      %select_n3A_255 = arith.select %gt3A_254, %broadcast_in_dim3A_252, %broadcast_in_dim3A_204 : vector<1x256xf32>
      %add3A_256 = arith.addf %add3A_237, %select_n3A_255 : vector<1x256xf32>
      %lt3A_257 = arith.constant 2 : i32
      %lt3A_258 = arith.cmpi slt, %min3A_98, %lt3A_257 : i32
      %select_n3A_259 = arith.select %lt3A_258, %broadcast_in_dim3A_252, %broadcast_in_dim3A_204 : vector<1x256xf32>
      %add3A_260 = arith.addf %add3A_241, %select_n3A_259 : vector<1x256xf32>
      %ge3A_261 = arith.constant 3 : i32
      %ge3A_262 = arith.cmpi sge, %min3A_98, %ge3A_261 : i32
      %select_n3A_263 = arith.select %ge3A_262, %mul3A_194, %mul3A_198 : vector<1x256xf32>
      %slice3A_264 = vector.extract_strided_slice %get3A_15 {offsets = [384, 0], sizes = [128, 256], strides = [1, 1]} : vector<4096x256xf32> to vector<128x256xf32>
      %ge3A_265 = vector.broadcast %select_n3A_263 : vector<1x256xf32> to vector<128x256xf32>
      %ge3A_266 = arith.cmpf oge, %slice3A_264, %ge3A_265 : vector<128x256xf32>
      %convert_element_type3A_267 = arith.extui %ge3A_266 : vector<128x256xi1> to vector<128x256xi32>
      %convert_element_type3A_268 = arith.sitofp %convert_element_type3A_267 : vector<128x256xi32> to vector<128x256xf32>
      %reduce_sum3A_269 = arith.constant dense<0.000000e+00> : vector<256xf32>
      %reduce_sum3A_270 = vector.multi_reduction <add>, %convert_element_type3A_268, %reduce_sum3A_269 [0] : vector<128x256xf32> to vector<256xf32>
      %broadcast_in_dim3A_271 = vector.shape_cast %reduce_sum3A_270 : vector<256xf32> to vector<1x256xf32>
      %gt3A_272 = arith.constant 3 : i32
      %gt3A_273 = arith.cmpi sgt, %min3A_98, %gt3A_272 : i32
      %select_n3A_274 = arith.select %gt3A_273, %broadcast_in_dim3A_271, %broadcast_in_dim3A_204 : vector<1x256xf32>
      %add3A_275 = arith.addf %add3A_256, %select_n3A_274 : vector<1x256xf32>
      %lt3A_276 = arith.constant 3 : i32
      %lt3A_277 = arith.cmpi slt, %min3A_98, %lt3A_276 : i32
      %select_n3A_278 = arith.select %lt3A_277, %broadcast_in_dim3A_271, %broadcast_in_dim3A_204 : vector<1x256xf32>
      %add3A_279 = arith.addf %add3A_260, %select_n3A_278 : vector<1x256xf32>
      %ge3A_280 = arith.constant 4 : i32
      %ge3A_281 = arith.cmpi sge, %min3A_98, %ge3A_280 : i32
      %select_n3A_282 = arith.select %ge3A_281, %mul3A_194, %mul3A_198 : vector<1x256xf32>
      %slice3A_283 = vector.extract_strided_slice %get3A_15 {offsets = [512, 0], sizes = [128, 256], strides = [1, 1]} : vector<4096x256xf32> to vector<128x256xf32>
      %ge3A_284 = vector.broadcast %select_n3A_282 : vector<1x256xf32> to vector<128x256xf32>
      %ge3A_285 = arith.cmpf oge, %slice3A_283, %ge3A_284 : vector<128x256xf32>
      %convert_element_type3A_286 = arith.extui %ge3A_285 : vector<128x256xi1> to vector<128x256xi32>
      %convert_element_type3A_287 = arith.sitofp %convert_element_type3A_286 : vector<128x256xi32> to vector<128x256xf32>
      %reduce_sum3A_288 = arith.constant dense<0.000000e+00> : vector<256xf32>
      %reduce_sum3A_289 = vector.multi_reduction <add>, %convert_element_type3A_287, %reduce_sum3A_288 [0] : vector<128x256xf32> to vector<256xf32>
      %broadcast_in_dim3A_290 = vector.shape_cast %reduce_sum3A_289 : vector<256xf32> to vector<1x256xf32>
      %gt3A_291 = arith.constant 4 : i32
      %gt3A_292 = arith.cmpi sgt, %min3A_98, %gt3A_291 : i32
      %select_n3A_293 = arith.select %gt3A_292, %broadcast_in_dim3A_290, %broadcast_in_dim3A_204 : vector<1x256xf32>
      %add3A_294 = arith.addf %add3A_275, %select_n3A_293 : vector<1x256xf32>
      %lt3A_295 = arith.constant 4 : i32
      %lt3A_296 = arith.cmpi slt, %min3A_98, %lt3A_295 : i32
      %select_n3A_297 = arith.select %lt3A_296, %broadcast_in_dim3A_290, %broadcast_in_dim3A_204 : vector<1x256xf32>
      %add3A_298 = arith.addf %add3A_279, %select_n3A_297 : vector<1x256xf32>
      %ge3A_299 = arith.constant 5 : i32
      %ge3A_300 = arith.cmpi sge, %min3A_98, %ge3A_299 : i32
      %select_n3A_301 = arith.select %ge3A_300, %mul3A_194, %mul3A_198 : vector<1x256xf32>
      %slice3A_302 = vector.extract_strided_slice %get3A_15 {offsets = [640, 0], sizes = [128, 256], strides = [1, 1]} : vector<4096x256xf32> to vector<128x256xf32>
      %ge3A_303 = vector.broadcast %select_n3A_301 : vector<1x256xf32> to vector<128x256xf32>
      %ge3A_304 = arith.cmpf oge, %slice3A_302, %ge3A_303 : vector<128x256xf32>
      %convert_element_type3A_305 = arith.extui %ge3A_304 : vector<128x256xi1> to vector<128x256xi32>
      %convert_element_type3A_306 = arith.sitofp %convert_element_type3A_305 : vector<128x256xi32> to vector<128x256xf32>
      %reduce_sum3A_307 = arith.constant dense<0.000000e+00> : vector<256xf32>
      %reduce_sum3A_308 = vector.multi_reduction <add>, %convert_element_type3A_306, %reduce_sum3A_307 [0] : vector<128x256xf32> to vector<256xf32>
      %broadcast_in_dim3A_309 = vector.shape_cast %reduce_sum3A_308 : vector<256xf32> to vector<1x256xf32>
      %gt3A_310 = arith.constant 5 : i32
      %gt3A_311 = arith.cmpi sgt, %min3A_98, %gt3A_310 : i32
      %select_n3A_312 = arith.select %gt3A_311, %broadcast_in_dim3A_309, %broadcast_in_dim3A_204 : vector<1x256xf32>
      %add3A_313 = arith.addf %add3A_294, %select_n3A_312 : vector<1x256xf32>
      %lt3A_314 = arith.constant 5 : i32
      %lt3A_315 = arith.cmpi slt, %min3A_98, %lt3A_314 : i32
      %select_n3A_316 = arith.select %lt3A_315, %broadcast_in_dim3A_309, %broadcast_in_dim3A_204 : vector<1x256xf32>
      %add3A_317 = arith.addf %add3A_298, %select_n3A_316 : vector<1x256xf32>
      %ge3A_318 = arith.constant 6 : i32
      %ge3A_319 = arith.cmpi sge, %min3A_98, %ge3A_318 : i32
      %select_n3A_320 = arith.select %ge3A_319, %mul3A_194, %mul3A_198 : vector<1x256xf32>
      %slice3A_321 = vector.extract_strided_slice %get3A_15 {offsets = [768, 0], sizes = [128, 256], strides = [1, 1]} : vector<4096x256xf32> to vector<128x256xf32>
      %ge3A_322 = vector.broadcast %select_n3A_320 : vector<1x256xf32> to vector<128x256xf32>
      %ge3A_323 = arith.cmpf oge, %slice3A_321, %ge3A_322 : vector<128x256xf32>
      %convert_element_type3A_324 = arith.extui %ge3A_323 : vector<128x256xi1> to vector<128x256xi32>
      %convert_element_type3A_325 = arith.sitofp %convert_element_type3A_324 : vector<128x256xi32> to vector<128x256xf32>
      %reduce_sum3A_326 = arith.constant dense<0.000000e+00> : vector<256xf32>
      %reduce_sum3A_327 = vector.multi_reduction <add>, %convert_element_type3A_325, %reduce_sum3A_326 [0] : vector<128x256xf32> to vector<256xf32>
      %broadcast_in_dim3A_328 = vector.shape_cast %reduce_sum3A_327 : vector<256xf32> to vector<1x256xf32>
      %gt3A_329 = arith.constant 6 : i32
      %gt3A_330 = arith.cmpi sgt, %min3A_98, %gt3A_329 : i32
      %select_n3A_331 = arith.select %gt3A_330, %broadcast_in_dim3A_328, %broadcast_in_dim3A_204 : vector<1x256xf32>
      %add3A_332 = arith.addf %add3A_313, %select_n3A_331 : vector<1x256xf32>
      %lt3A_333 = arith.constant 6 : i32
      %lt3A_334 = arith.cmpi slt, %min3A_98, %lt3A_333 : i32
      %select_n3A_335 = arith.select %lt3A_334, %broadcast_in_dim3A_328, %broadcast_in_dim3A_204 : vector<1x256xf32>
      %add3A_336 = arith.addf %add3A_317, %select_n3A_335 : vector<1x256xf32>
      %ge3A_337 = arith.constant 7 : i32
      %ge3A_338 = arith.cmpi sge, %min3A_98, %ge3A_337 : i32
      %select_n3A_339 = arith.select %ge3A_338, %mul3A_194, %mul3A_198 : vector<1x256xf32>
      %slice3A_340 = vector.extract_strided_slice %get3A_15 {offsets = [896, 0], sizes = [128, 256], strides = [1, 1]} : vector<4096x256xf32> to vector<128x256xf32>
      %ge3A_341 = vector.broadcast %select_n3A_339 : vector<1x256xf32> to vector<128x256xf32>
      %ge3A_342 = arith.cmpf oge, %slice3A_340, %ge3A_341 : vector<128x256xf32>
      %convert_element_type3A_343 = arith.extui %ge3A_342 : vector<128x256xi1> to vector<128x256xi32>
      %convert_element_type3A_344 = arith.sitofp %convert_element_type3A_343 : vector<128x256xi32> to vector<128x256xf32>
      %reduce_sum3A_345 = arith.constant dense<0.000000e+00> : vector<256xf32>
      %reduce_sum3A_346 = vector.multi_reduction <add>, %convert_element_type3A_344, %reduce_sum3A_345 [0] : vector<128x256xf32> to vector<256xf32>
      %broadcast_in_dim3A_347 = vector.shape_cast %reduce_sum3A_346 : vector<256xf32> to vector<1x256xf32>
      %gt3A_348 = arith.constant 7 : i32
      %gt3A_349 = arith.cmpi sgt, %min3A_98, %gt3A_348 : i32
      %select_n3A_350 = arith.select %gt3A_349, %broadcast_in_dim3A_347, %broadcast_in_dim3A_204 : vector<1x256xf32>
      %add3A_351 = arith.addf %add3A_332, %select_n3A_350 : vector<1x256xf32>
      %lt3A_352 = arith.constant 7 : i32
      %lt3A_353 = arith.cmpi slt, %min3A_98, %lt3A_352 : i32
      %select_n3A_354 = arith.select %lt3A_353, %broadcast_in_dim3A_347, %broadcast_in_dim3A_204 : vector<1x256xf32>
      %add3A_355 = arith.addf %add3A_336, %select_n3A_354 : vector<1x256xf32>
      %ge3A_356 = arith.constant 8 : i32
      %ge3A_357 = arith.cmpi sge, %min3A_98, %ge3A_356 : i32
      %select_n3A_358 = arith.select %ge3A_357, %mul3A_194, %mul3A_198 : vector<1x256xf32>
      %slice3A_359 = vector.extract_strided_slice %get3A_15 {offsets = [1024, 0], sizes = [128, 256], strides = [1, 1]} : vector<4096x256xf32> to vector<128x256xf32>
      %ge3A_360 = vector.broadcast %select_n3A_358 : vector<1x256xf32> to vector<128x256xf32>
      %ge3A_361 = arith.cmpf oge, %slice3A_359, %ge3A_360 : vector<128x256xf32>
      %convert_element_type3A_362 = arith.extui %ge3A_361 : vector<128x256xi1> to vector<128x256xi32>
      %convert_element_type3A_363 = arith.sitofp %convert_element_type3A_362 : vector<128x256xi32> to vector<128x256xf32>
      %reduce_sum3A_364 = arith.constant dense<0.000000e+00> : vector<256xf32>
      %reduce_sum3A_365 = vector.multi_reduction <add>, %convert_element_type3A_363, %reduce_sum3A_364 [0] : vector<128x256xf32> to vector<256xf32>
      %broadcast_in_dim3A_366 = vector.shape_cast %reduce_sum3A_365 : vector<256xf32> to vector<1x256xf32>
      %gt3A_367 = arith.constant 8 : i32
      %gt3A_368 = arith.cmpi sgt, %min3A_98, %gt3A_367 : i32
      %select_n3A_369 = arith.select %gt3A_368, %broadcast_in_dim3A_366, %broadcast_in_dim3A_204 : vector<1x256xf32>
      %add3A_370 = arith.addf %add3A_351, %select_n3A_369 : vector<1x256xf32>
      %lt3A_371 = arith.constant 8 : i32
      %lt3A_372 = arith.cmpi slt, %min3A_98, %lt3A_371 : i32
      %select_n3A_373 = arith.select %lt3A_372, %broadcast_in_dim3A_366, %broadcast_in_dim3A_204 : vector<1x256xf32>
      %add3A_374 = arith.addf %add3A_355, %select_n3A_373 : vector<1x256xf32>
      %ge3A_375 = arith.constant 9 : i32
      %ge3A_376 = arith.cmpi sge, %min3A_98, %ge3A_375 : i32
      %select_n3A_377 = arith.select %ge3A_376, %mul3A_194, %mul3A_198 : vector<1x256xf32>
      %slice3A_378 = vector.extract_strided_slice %get3A_15 {offsets = [1152, 0], sizes = [128, 256], strides = [1, 1]} : vector<4096x256xf32> to vector<128x256xf32>
      %ge3A_379 = vector.broadcast %select_n3A_377 : vector<1x256xf32> to vector<128x256xf32>
      %ge3A_380 = arith.cmpf oge, %slice3A_378, %ge3A_379 : vector<128x256xf32>
      %convert_element_type3A_381 = arith.extui %ge3A_380 : vector<128x256xi1> to vector<128x256xi32>
      %convert_element_type3A_382 = arith.sitofp %convert_element_type3A_381 : vector<128x256xi32> to vector<128x256xf32>
      %reduce_sum3A_383 = arith.constant dense<0.000000e+00> : vector<256xf32>
      %reduce_sum3A_384 = vector.multi_reduction <add>, %convert_element_type3A_382, %reduce_sum3A_383 [0] : vector<128x256xf32> to vector<256xf32>
      %broadcast_in_dim3A_385 = vector.shape_cast %reduce_sum3A_384 : vector<256xf32> to vector<1x256xf32>
      %gt3A_386 = arith.constant 9 : i32
      %gt3A_387 = arith.cmpi sgt, %min3A_98, %gt3A_386 : i32
      %select_n3A_388 = arith.select %gt3A_387, %broadcast_in_dim3A_385, %broadcast_in_dim3A_204 : vector<1x256xf32>
      %add3A_389 = arith.addf %add3A_370, %select_n3A_388 : vector<1x256xf32>
      %lt3A_390 = arith.constant 9 : i32
      %lt3A_391 = arith.cmpi slt, %min3A_98, %lt3A_390 : i32
      %select_n3A_392 = arith.select %lt3A_391, %broadcast_in_dim3A_385, %broadcast_in_dim3A_204 : vector<1x256xf32>
      %add3A_393 = arith.addf %add3A_374, %select_n3A_392 : vector<1x256xf32>
      %ge3A_394 = arith.constant 10 : i32
      %ge3A_395 = arith.cmpi sge, %min3A_98, %ge3A_394 : i32
      %select_n3A_396 = arith.select %ge3A_395, %mul3A_194, %mul3A_198 : vector<1x256xf32>
      %slice3A_397 = vector.extract_strided_slice %get3A_15 {offsets = [1280, 0], sizes = [128, 256], strides = [1, 1]} : vector<4096x256xf32> to vector<128x256xf32>
      %ge3A_398 = vector.broadcast %select_n3A_396 : vector<1x256xf32> to vector<128x256xf32>
      %ge3A_399 = arith.cmpf oge, %slice3A_397, %ge3A_398 : vector<128x256xf32>
      %convert_element_type3A_400 = arith.extui %ge3A_399 : vector<128x256xi1> to vector<128x256xi32>
      %convert_element_type3A_401 = arith.sitofp %convert_element_type3A_400 : vector<128x256xi32> to vector<128x256xf32>
      %reduce_sum3A_402 = arith.constant dense<0.000000e+00> : vector<256xf32>
      %reduce_sum3A_403 = vector.multi_reduction <add>, %convert_element_type3A_401, %reduce_sum3A_402 [0] : vector<128x256xf32> to vector<256xf32>
      %broadcast_in_dim3A_404 = vector.shape_cast %reduce_sum3A_403 : vector<256xf32> to vector<1x256xf32>
      %gt3A_405 = arith.constant 10 : i32
      %gt3A_406 = arith.cmpi sgt, %min3A_98, %gt3A_405 : i32
      %select_n3A_407 = arith.select %gt3A_406, %broadcast_in_dim3A_404, %broadcast_in_dim3A_204 : vector<1x256xf32>
      %add3A_408 = arith.addf %add3A_389, %select_n3A_407 : vector<1x256xf32>
      %lt3A_409 = arith.constant 10 : i32
      %lt3A_410 = arith.cmpi slt, %min3A_98, %lt3A_409 : i32
      %select_n3A_411 = arith.select %lt3A_410, %broadcast_in_dim3A_404, %broadcast_in_dim3A_204 : vector<1x256xf32>
      %add3A_412 = arith.addf %add3A_393, %select_n3A_411 : vector<1x256xf32>
      %ge3A_413 = arith.constant 11 : i32
      %ge3A_414 = arith.cmpi sge, %min3A_98, %ge3A_413 : i32
      %select_n3A_415 = arith.select %ge3A_414, %mul3A_194, %mul3A_198 : vector<1x256xf32>
      %slice3A_416 = vector.extract_strided_slice %get3A_15 {offsets = [1408, 0], sizes = [128, 256], strides = [1, 1]} : vector<4096x256xf32> to vector<128x256xf32>
      %ge3A_417 = vector.broadcast %select_n3A_415 : vector<1x256xf32> to vector<128x256xf32>
      %ge3A_418 = arith.cmpf oge, %slice3A_416, %ge3A_417 : vector<128x256xf32>
      %convert_element_type3A_419 = arith.extui %ge3A_418 : vector<128x256xi1> to vector<128x256xi32>
      %convert_element_type3A_420 = arith.sitofp %convert_element_type3A_419 : vector<128x256xi32> to vector<128x256xf32>
      %reduce_sum3A_421 = arith.constant dense<0.000000e+00> : vector<256xf32>
      %reduce_sum3A_422 = vector.multi_reduction <add>, %convert_element_type3A_420, %reduce_sum3A_421 [0] : vector<128x256xf32> to vector<256xf32>
      %broadcast_in_dim3A_423 = vector.shape_cast %reduce_sum3A_422 : vector<256xf32> to vector<1x256xf32>
      %gt3A_424 = arith.constant 11 : i32
      %gt3A_425 = arith.cmpi sgt, %min3A_98, %gt3A_424 : i32
      %select_n3A_426 = arith.select %gt3A_425, %broadcast_in_dim3A_423, %broadcast_in_dim3A_204 : vector<1x256xf32>
      %add3A_427 = arith.addf %add3A_408, %select_n3A_426 : vector<1x256xf32>
      %lt3A_428 = arith.constant 11 : i32
      %lt3A_429 = arith.cmpi slt, %min3A_98, %lt3A_428 : i32
      %select_n3A_430 = arith.select %lt3A_429, %broadcast_in_dim3A_423, %broadcast_in_dim3A_204 : vector<1x256xf32>
      %add3A_431 = arith.addf %add3A_412, %select_n3A_430 : vector<1x256xf32>
      %ge3A_432 = arith.constant 12 : i32
      %ge3A_433 = arith.cmpi sge, %min3A_98, %ge3A_432 : i32
      %select_n3A_434 = arith.select %ge3A_433, %mul3A_194, %mul3A_198 : vector<1x256xf32>
      %slice3A_435 = vector.extract_strided_slice %get3A_15 {offsets = [1536, 0], sizes = [128, 256], strides = [1, 1]} : vector<4096x256xf32> to vector<128x256xf32>
      %ge3A_436 = vector.broadcast %select_n3A_434 : vector<1x256xf32> to vector<128x256xf32>
      %ge3A_437 = arith.cmpf oge, %slice3A_435, %ge3A_436 : vector<128x256xf32>
      %convert_element_type3A_438 = arith.extui %ge3A_437 : vector<128x256xi1> to vector<128x256xi32>
      %convert_element_type3A_439 = arith.sitofp %convert_element_type3A_438 : vector<128x256xi32> to vector<128x256xf32>
      %reduce_sum3A_440 = arith.constant dense<0.000000e+00> : vector<256xf32>
      %reduce_sum3A_441 = vector.multi_reduction <add>, %convert_element_type3A_439, %reduce_sum3A_440 [0] : vector<128x256xf32> to vector<256xf32>
      %broadcast_in_dim3A_442 = vector.shape_cast %reduce_sum3A_441 : vector<256xf32> to vector<1x256xf32>
      %gt3A_443 = arith.constant 12 : i32
      %gt3A_444 = arith.cmpi sgt, %min3A_98, %gt3A_443 : i32
      %select_n3A_445 = arith.select %gt3A_444, %broadcast_in_dim3A_442, %broadcast_in_dim3A_204 : vector<1x256xf32>
      %add3A_446 = arith.addf %add3A_427, %select_n3A_445 : vector<1x256xf32>
      %lt3A_447 = arith.constant 12 : i32
      %lt3A_448 = arith.cmpi slt, %min3A_98, %lt3A_447 : i32
      %select_n3A_449 = arith.select %lt3A_448, %broadcast_in_dim3A_442, %broadcast_in_dim3A_204 : vector<1x256xf32>
      %add3A_450 = arith.addf %add3A_431, %select_n3A_449 : vector<1x256xf32>
      %ge3A_451 = arith.constant 13 : i32
      %ge3A_452 = arith.cmpi sge, %min3A_98, %ge3A_451 : i32
      %select_n3A_453 = arith.select %ge3A_452, %mul3A_194, %mul3A_198 : vector<1x256xf32>
      %slice3A_454 = vector.extract_strided_slice %get3A_15 {offsets = [1664, 0], sizes = [128, 256], strides = [1, 1]} : vector<4096x256xf32> to vector<128x256xf32>
      %ge3A_455 = vector.broadcast %select_n3A_453 : vector<1x256xf32> to vector<128x256xf32>
      %ge3A_456 = arith.cmpf oge, %slice3A_454, %ge3A_455 : vector<128x256xf32>
      %convert_element_type3A_457 = arith.extui %ge3A_456 : vector<128x256xi1> to vector<128x256xi32>
      %convert_element_type3A_458 = arith.sitofp %convert_element_type3A_457 : vector<128x256xi32> to vector<128x256xf32>
      %reduce_sum3A_459 = arith.constant dense<0.000000e+00> : vector<256xf32>
      %reduce_sum3A_460 = vector.multi_reduction <add>, %convert_element_type3A_458, %reduce_sum3A_459 [0] : vector<128x256xf32> to vector<256xf32>
      %broadcast_in_dim3A_461 = vector.shape_cast %reduce_sum3A_460 : vector<256xf32> to vector<1x256xf32>
      %gt3A_462 = arith.constant 13 : i32
      %gt3A_463 = arith.cmpi sgt, %min3A_98, %gt3A_462 : i32
      %select_n3A_464 = arith.select %gt3A_463, %broadcast_in_dim3A_461, %broadcast_in_dim3A_204 : vector<1x256xf32>
      %add3A_465 = arith.addf %add3A_446, %select_n3A_464 : vector<1x256xf32>
      %lt3A_466 = arith.constant 13 : i32
      %lt3A_467 = arith.cmpi slt, %min3A_98, %lt3A_466 : i32
      %select_n3A_468 = arith.select %lt3A_467, %broadcast_in_dim3A_461, %broadcast_in_dim3A_204 : vector<1x256xf32>
      %add3A_469 = arith.addf %add3A_450, %select_n3A_468 : vector<1x256xf32>
      %ge3A_470 = arith.constant 14 : i32
      %ge3A_471 = arith.cmpi sge, %min3A_98, %ge3A_470 : i32
      %select_n3A_472 = arith.select %ge3A_471, %mul3A_194, %mul3A_198 : vector<1x256xf32>
      %slice3A_473 = vector.extract_strided_slice %get3A_15 {offsets = [1792, 0], sizes = [128, 256], strides = [1, 1]} : vector<4096x256xf32> to vector<128x256xf32>
      %ge3A_474 = vector.broadcast %select_n3A_472 : vector<1x256xf32> to vector<128x256xf32>
      %ge3A_475 = arith.cmpf oge, %slice3A_473, %ge3A_474 : vector<128x256xf32>
      %convert_element_type3A_476 = arith.extui %ge3A_475 : vector<128x256xi1> to vector<128x256xi32>
      %convert_element_type3A_477 = arith.sitofp %convert_element_type3A_476 : vector<128x256xi32> to vector<128x256xf32>
      %reduce_sum3A_478 = arith.constant dense<0.000000e+00> : vector<256xf32>
      %reduce_sum3A_479 = vector.multi_reduction <add>, %convert_element_type3A_477, %reduce_sum3A_478 [0] : vector<128x256xf32> to vector<256xf32>
      %broadcast_in_dim3A_480 = vector.shape_cast %reduce_sum3A_479 : vector<256xf32> to vector<1x256xf32>
      %gt3A_481 = arith.constant 14 : i32
      %gt3A_482 = arith.cmpi sgt, %min3A_98, %gt3A_481 : i32
      %select_n3A_483 = arith.select %gt3A_482, %broadcast_in_dim3A_480, %broadcast_in_dim3A_204 : vector<1x256xf32>
      %add3A_484 = arith.addf %add3A_465, %select_n3A_483 : vector<1x256xf32>
      %lt3A_485 = arith.constant 14 : i32
      %lt3A_486 = arith.cmpi slt, %min3A_98, %lt3A_485 : i32
      %select_n3A_487 = arith.select %lt3A_486, %broadcast_in_dim3A_480, %broadcast_in_dim3A_204 : vector<1x256xf32>
      %add3A_488 = arith.addf %add3A_469, %select_n3A_487 : vector<1x256xf32>
      %ge3A_489 = arith.constant 15 : i32
      %ge3A_490 = arith.cmpi sge, %min3A_98, %ge3A_489 : i32
      %select_n3A_491 = arith.select %ge3A_490, %mul3A_194, %mul3A_198 : vector<1x256xf32>
      %slice3A_492 = vector.extract_strided_slice %get3A_15 {offsets = [1920, 0], sizes = [128, 256], strides = [1, 1]} : vector<4096x256xf32> to vector<128x256xf32>
      %ge3A_493 = vector.broadcast %select_n3A_491 : vector<1x256xf32> to vector<128x256xf32>
      %ge3A_494 = arith.cmpf oge, %slice3A_492, %ge3A_493 : vector<128x256xf32>
      %convert_element_type3A_495 = arith.extui %ge3A_494 : vector<128x256xi1> to vector<128x256xi32>
      %convert_element_type3A_496 = arith.sitofp %convert_element_type3A_495 : vector<128x256xi32> to vector<128x256xf32>
      %reduce_sum3A_497 = arith.constant dense<0.000000e+00> : vector<256xf32>
      %reduce_sum3A_498 = vector.multi_reduction <add>, %convert_element_type3A_496, %reduce_sum3A_497 [0] : vector<128x256xf32> to vector<256xf32>
      %broadcast_in_dim3A_499 = vector.shape_cast %reduce_sum3A_498 : vector<256xf32> to vector<1x256xf32>
      %gt3A_500 = arith.constant 15 : i32
      %gt3A_501 = arith.cmpi sgt, %min3A_98, %gt3A_500 : i32
      %select_n3A_502 = arith.select %gt3A_501, %broadcast_in_dim3A_499, %broadcast_in_dim3A_204 : vector<1x256xf32>
      %add3A_503 = arith.addf %add3A_484, %select_n3A_502 : vector<1x256xf32>
      %lt3A_504 = arith.constant 15 : i32
      %lt3A_505 = arith.cmpi slt, %min3A_98, %lt3A_504 : i32
      %select_n3A_506 = arith.select %lt3A_505, %broadcast_in_dim3A_499, %broadcast_in_dim3A_204 : vector<1x256xf32>
      %add3A_507 = arith.addf %add3A_488, %select_n3A_506 : vector<1x256xf32>
      %ge3A_508 = arith.constant 16 : i32
      %ge3A_509 = arith.cmpi sge, %min3A_98, %ge3A_508 : i32
      %select_n3A_510 = arith.select %ge3A_509, %mul3A_194, %mul3A_198 : vector<1x256xf32>
      %slice3A_511 = vector.extract_strided_slice %get3A_15 {offsets = [2048, 0], sizes = [128, 256], strides = [1, 1]} : vector<4096x256xf32> to vector<128x256xf32>
      %ge3A_512 = vector.broadcast %select_n3A_510 : vector<1x256xf32> to vector<128x256xf32>
      %ge3A_513 = arith.cmpf oge, %slice3A_511, %ge3A_512 : vector<128x256xf32>
      %convert_element_type3A_514 = arith.extui %ge3A_513 : vector<128x256xi1> to vector<128x256xi32>
      %convert_element_type3A_515 = arith.sitofp %convert_element_type3A_514 : vector<128x256xi32> to vector<128x256xf32>
      %reduce_sum3A_516 = arith.constant dense<0.000000e+00> : vector<256xf32>
      %reduce_sum3A_517 = vector.multi_reduction <add>, %convert_element_type3A_515, %reduce_sum3A_516 [0] : vector<128x256xf32> to vector<256xf32>
      %broadcast_in_dim3A_518 = vector.shape_cast %reduce_sum3A_517 : vector<256xf32> to vector<1x256xf32>
      %gt3A_519 = arith.constant 16 : i32
      %gt3A_520 = arith.cmpi sgt, %min3A_98, %gt3A_519 : i32
      %select_n3A_521 = arith.select %gt3A_520, %broadcast_in_dim3A_518, %broadcast_in_dim3A_204 : vector<1x256xf32>
      %add3A_522 = arith.addf %add3A_503, %select_n3A_521 : vector<1x256xf32>
      %lt3A_523 = arith.constant 16 : i32
      %lt3A_524 = arith.cmpi slt, %min3A_98, %lt3A_523 : i32
      %select_n3A_525 = arith.select %lt3A_524, %broadcast_in_dim3A_518, %broadcast_in_dim3A_204 : vector<1x256xf32>
      %add3A_526 = arith.addf %add3A_507, %select_n3A_525 : vector<1x256xf32>
      %ge3A_527 = arith.constant 17 : i32
      %ge3A_528 = arith.cmpi sge, %min3A_98, %ge3A_527 : i32
      %select_n3A_529 = arith.select %ge3A_528, %mul3A_194, %mul3A_198 : vector<1x256xf32>
      %slice3A_530 = vector.extract_strided_slice %get3A_15 {offsets = [2176, 0], sizes = [128, 256], strides = [1, 1]} : vector<4096x256xf32> to vector<128x256xf32>
      %ge3A_531 = vector.broadcast %select_n3A_529 : vector<1x256xf32> to vector<128x256xf32>
      %ge3A_532 = arith.cmpf oge, %slice3A_530, %ge3A_531 : vector<128x256xf32>
      %convert_element_type3A_533 = arith.extui %ge3A_532 : vector<128x256xi1> to vector<128x256xi32>
      %convert_element_type3A_534 = arith.sitofp %convert_element_type3A_533 : vector<128x256xi32> to vector<128x256xf32>
      %reduce_sum3A_535 = arith.constant dense<0.000000e+00> : vector<256xf32>
      %reduce_sum3A_536 = vector.multi_reduction <add>, %convert_element_type3A_534, %reduce_sum3A_535 [0] : vector<128x256xf32> to vector<256xf32>
      %broadcast_in_dim3A_537 = vector.shape_cast %reduce_sum3A_536 : vector<256xf32> to vector<1x256xf32>
      %gt3A_538 = arith.constant 17 : i32
      %gt3A_539 = arith.cmpi sgt, %min3A_98, %gt3A_538 : i32
      %select_n3A_540 = arith.select %gt3A_539, %broadcast_in_dim3A_537, %broadcast_in_dim3A_204 : vector<1x256xf32>
      %add3A_541 = arith.addf %add3A_522, %select_n3A_540 : vector<1x256xf32>
      %lt3A_542 = arith.constant 17 : i32
      %lt3A_543 = arith.cmpi slt, %min3A_98, %lt3A_542 : i32
      %select_n3A_544 = arith.select %lt3A_543, %broadcast_in_dim3A_537, %broadcast_in_dim3A_204 : vector<1x256xf32>
      %add3A_545 = arith.addf %add3A_526, %select_n3A_544 : vector<1x256xf32>
      %ge3A_546 = arith.constant 18 : i32
      %ge3A_547 = arith.cmpi sge, %min3A_98, %ge3A_546 : i32
      %select_n3A_548 = arith.select %ge3A_547, %mul3A_194, %mul3A_198 : vector<1x256xf32>
      %slice3A_549 = vector.extract_strided_slice %get3A_15 {offsets = [2304, 0], sizes = [128, 256], strides = [1, 1]} : vector<4096x256xf32> to vector<128x256xf32>
      %ge3A_550 = vector.broadcast %select_n3A_548 : vector<1x256xf32> to vector<128x256xf32>
      %ge3A_551 = arith.cmpf oge, %slice3A_549, %ge3A_550 : vector<128x256xf32>
      %convert_element_type3A_552 = arith.extui %ge3A_551 : vector<128x256xi1> to vector<128x256xi32>
      %convert_element_type3A_553 = arith.sitofp %convert_element_type3A_552 : vector<128x256xi32> to vector<128x256xf32>
      %reduce_sum3A_554 = arith.constant dense<0.000000e+00> : vector<256xf32>
      %reduce_sum3A_555 = vector.multi_reduction <add>, %convert_element_type3A_553, %reduce_sum3A_554 [0] : vector<128x256xf32> to vector<256xf32>
      %broadcast_in_dim3A_556 = vector.shape_cast %reduce_sum3A_555 : vector<256xf32> to vector<1x256xf32>
      %gt3A_557 = arith.constant 18 : i32
      %gt3A_558 = arith.cmpi sgt, %min3A_98, %gt3A_557 : i32
      %select_n3A_559 = arith.select %gt3A_558, %broadcast_in_dim3A_556, %broadcast_in_dim3A_204 : vector<1x256xf32>
      %add3A_560 = arith.addf %add3A_541, %select_n3A_559 : vector<1x256xf32>
      %lt3A_561 = arith.constant 18 : i32
      %lt3A_562 = arith.cmpi slt, %min3A_98, %lt3A_561 : i32
      %select_n3A_563 = arith.select %lt3A_562, %broadcast_in_dim3A_556, %broadcast_in_dim3A_204 : vector<1x256xf32>
      %add3A_564 = arith.addf %add3A_545, %select_n3A_563 : vector<1x256xf32>
      %ge3A_565 = arith.constant 19 : i32
      %ge3A_566 = arith.cmpi sge, %min3A_98, %ge3A_565 : i32
      %select_n3A_567 = arith.select %ge3A_566, %mul3A_194, %mul3A_198 : vector<1x256xf32>
      %slice3A_568 = vector.extract_strided_slice %get3A_15 {offsets = [2432, 0], sizes = [128, 256], strides = [1, 1]} : vector<4096x256xf32> to vector<128x256xf32>
      %ge3A_569 = vector.broadcast %select_n3A_567 : vector<1x256xf32> to vector<128x256xf32>
      %ge3A_570 = arith.cmpf oge, %slice3A_568, %ge3A_569 : vector<128x256xf32>
      %convert_element_type3A_571 = arith.extui %ge3A_570 : vector<128x256xi1> to vector<128x256xi32>
      %convert_element_type3A_572 = arith.sitofp %convert_element_type3A_571 : vector<128x256xi32> to vector<128x256xf32>
      %reduce_sum3A_573 = arith.constant dense<0.000000e+00> : vector<256xf32>
      %reduce_sum3A_574 = vector.multi_reduction <add>, %convert_element_type3A_572, %reduce_sum3A_573 [0] : vector<128x256xf32> to vector<256xf32>
      %broadcast_in_dim3A_575 = vector.shape_cast %reduce_sum3A_574 : vector<256xf32> to vector<1x256xf32>
      %gt3A_576 = arith.constant 19 : i32
      %gt3A_577 = arith.cmpi sgt, %min3A_98, %gt3A_576 : i32
      %select_n3A_578 = arith.select %gt3A_577, %broadcast_in_dim3A_575, %broadcast_in_dim3A_204 : vector<1x256xf32>
      %add3A_579 = arith.addf %add3A_560, %select_n3A_578 : vector<1x256xf32>
      %lt3A_580 = arith.constant 19 : i32
      %lt3A_581 = arith.cmpi slt, %min3A_98, %lt3A_580 : i32
      %select_n3A_582 = arith.select %lt3A_581, %broadcast_in_dim3A_575, %broadcast_in_dim3A_204 : vector<1x256xf32>
      %add3A_583 = arith.addf %add3A_564, %select_n3A_582 : vector<1x256xf32>
      %ge3A_584 = arith.constant 20 : i32
      %ge3A_585 = arith.cmpi sge, %min3A_98, %ge3A_584 : i32
      %select_n3A_586 = arith.select %ge3A_585, %mul3A_194, %mul3A_198 : vector<1x256xf32>
      %slice3A_587 = vector.extract_strided_slice %get3A_15 {offsets = [2560, 0], sizes = [128, 256], strides = [1, 1]} : vector<4096x256xf32> to vector<128x256xf32>
      %ge3A_588 = vector.broadcast %select_n3A_586 : vector<1x256xf32> to vector<128x256xf32>
      %ge3A_589 = arith.cmpf oge, %slice3A_587, %ge3A_588 : vector<128x256xf32>
      %convert_element_type3A_590 = arith.extui %ge3A_589 : vector<128x256xi1> to vector<128x256xi32>
      %convert_element_type3A_591 = arith.sitofp %convert_element_type3A_590 : vector<128x256xi32> to vector<128x256xf32>
      %reduce_sum3A_592 = arith.constant dense<0.000000e+00> : vector<256xf32>
      %reduce_sum3A_593 = vector.multi_reduction <add>, %convert_element_type3A_591, %reduce_sum3A_592 [0] : vector<128x256xf32> to vector<256xf32>
      %broadcast_in_dim3A_594 = vector.shape_cast %reduce_sum3A_593 : vector<256xf32> to vector<1x256xf32>
      %gt3A_595 = arith.constant 20 : i32
      %gt3A_596 = arith.cmpi sgt, %min3A_98, %gt3A_595 : i32
      %select_n3A_597 = arith.select %gt3A_596, %broadcast_in_dim3A_594, %broadcast_in_dim3A_204 : vector<1x256xf32>
      %add3A_598 = arith.addf %add3A_579, %select_n3A_597 : vector<1x256xf32>
      %lt3A_599 = arith.constant 20 : i32
      %lt3A_600 = arith.cmpi slt, %min3A_98, %lt3A_599 : i32
      %select_n3A_601 = arith.select %lt3A_600, %broadcast_in_dim3A_594, %broadcast_in_dim3A_204 : vector<1x256xf32>
      %add3A_602 = arith.addf %add3A_583, %select_n3A_601 : vector<1x256xf32>
      %ge3A_603 = arith.constant 21 : i32
      %ge3A_604 = arith.cmpi sge, %min3A_98, %ge3A_603 : i32
      %select_n3A_605 = arith.select %ge3A_604, %mul3A_194, %mul3A_198 : vector<1x256xf32>
      %slice3A_606 = vector.extract_strided_slice %get3A_15 {offsets = [2688, 0], sizes = [128, 256], strides = [1, 1]} : vector<4096x256xf32> to vector<128x256xf32>
      %ge3A_607 = vector.broadcast %select_n3A_605 : vector<1x256xf32> to vector<128x256xf32>
      %ge3A_608 = arith.cmpf oge, %slice3A_606, %ge3A_607 : vector<128x256xf32>
      %convert_element_type3A_609 = arith.extui %ge3A_608 : vector<128x256xi1> to vector<128x256xi32>
      %convert_element_type3A_610 = arith.sitofp %convert_element_type3A_609 : vector<128x256xi32> to vector<128x256xf32>
      %reduce_sum3A_611 = arith.constant dense<0.000000e+00> : vector<256xf32>
      %reduce_sum3A_612 = vector.multi_reduction <add>, %convert_element_type3A_610, %reduce_sum3A_611 [0] : vector<128x256xf32> to vector<256xf32>
      %broadcast_in_dim3A_613 = vector.shape_cast %reduce_sum3A_612 : vector<256xf32> to vector<1x256xf32>
      %gt3A_614 = arith.constant 21 : i32
      %gt3A_615 = arith.cmpi sgt, %min3A_98, %gt3A_614 : i32
      %select_n3A_616 = arith.select %gt3A_615, %broadcast_in_dim3A_613, %broadcast_in_dim3A_204 : vector<1x256xf32>
      %add3A_617 = arith.addf %add3A_598, %select_n3A_616 : vector<1x256xf32>
      %lt3A_618 = arith.constant 21 : i32
      %lt3A_619 = arith.cmpi slt, %min3A_98, %lt3A_618 : i32
      %select_n3A_620 = arith.select %lt3A_619, %broadcast_in_dim3A_613, %broadcast_in_dim3A_204 : vector<1x256xf32>
      %add3A_621 = arith.addf %add3A_602, %select_n3A_620 : vector<1x256xf32>
      %ge3A_622 = arith.constant 22 : i32
      %ge3A_623 = arith.cmpi sge, %min3A_98, %ge3A_622 : i32
      %select_n3A_624 = arith.select %ge3A_623, %mul3A_194, %mul3A_198 : vector<1x256xf32>
      %slice3A_625 = vector.extract_strided_slice %get3A_15 {offsets = [2816, 0], sizes = [128, 256], strides = [1, 1]} : vector<4096x256xf32> to vector<128x256xf32>
      %ge3A_626 = vector.broadcast %select_n3A_624 : vector<1x256xf32> to vector<128x256xf32>
      %ge3A_627 = arith.cmpf oge, %slice3A_625, %ge3A_626 : vector<128x256xf32>
      %convert_element_type3A_628 = arith.extui %ge3A_627 : vector<128x256xi1> to vector<128x256xi32>
      %convert_element_type3A_629 = arith.sitofp %convert_element_type3A_628 : vector<128x256xi32> to vector<128x256xf32>
      %reduce_sum3A_630 = arith.constant dense<0.000000e+00> : vector<256xf32>
      %reduce_sum3A_631 = vector.multi_reduction <add>, %convert_element_type3A_629, %reduce_sum3A_630 [0] : vector<128x256xf32> to vector<256xf32>
      %broadcast_in_dim3A_632 = vector.shape_cast %reduce_sum3A_631 : vector<256xf32> to vector<1x256xf32>
      %gt3A_633 = arith.constant 22 : i32
      %gt3A_634 = arith.cmpi sgt, %min3A_98, %gt3A_633 : i32
      %select_n3A_635 = arith.select %gt3A_634, %broadcast_in_dim3A_632, %broadcast_in_dim3A_204 : vector<1x256xf32>
      %add3A_636 = arith.addf %add3A_617, %select_n3A_635 : vector<1x256xf32>
      %lt3A_637 = arith.constant 22 : i32
      %lt3A_638 = arith.cmpi slt, %min3A_98, %lt3A_637 : i32
      %select_n3A_639 = arith.select %lt3A_638, %broadcast_in_dim3A_632, %broadcast_in_dim3A_204 : vector<1x256xf32>
      %add3A_640 = arith.addf %add3A_621, %select_n3A_639 : vector<1x256xf32>
      %ge3A_641 = arith.constant 23 : i32
      %ge3A_642 = arith.cmpi sge, %min3A_98, %ge3A_641 : i32
      %select_n3A_643 = arith.select %ge3A_642, %mul3A_194, %mul3A_198 : vector<1x256xf32>
      %slice3A_644 = vector.extract_strided_slice %get3A_15 {offsets = [2944, 0], sizes = [128, 256], strides = [1, 1]} : vector<4096x256xf32> to vector<128x256xf32>
      %ge3A_645 = vector.broadcast %select_n3A_643 : vector<1x256xf32> to vector<128x256xf32>
      %ge3A_646 = arith.cmpf oge, %slice3A_644, %ge3A_645 : vector<128x256xf32>
      %convert_element_type3A_647 = arith.extui %ge3A_646 : vector<128x256xi1> to vector<128x256xi32>
      %convert_element_type3A_648 = arith.sitofp %convert_element_type3A_647 : vector<128x256xi32> to vector<128x256xf32>
      %reduce_sum3A_649 = arith.constant dense<0.000000e+00> : vector<256xf32>
      %reduce_sum3A_650 = vector.multi_reduction <add>, %convert_element_type3A_648, %reduce_sum3A_649 [0] : vector<128x256xf32> to vector<256xf32>
      %broadcast_in_dim3A_651 = vector.shape_cast %reduce_sum3A_650 : vector<256xf32> to vector<1x256xf32>
      %gt3A_652 = arith.constant 23 : i32
      %gt3A_653 = arith.cmpi sgt, %min3A_98, %gt3A_652 : i32
      %select_n3A_654 = arith.select %gt3A_653, %broadcast_in_dim3A_651, %broadcast_in_dim3A_204 : vector<1x256xf32>
      %add3A_655 = arith.addf %add3A_636, %select_n3A_654 : vector<1x256xf32>
      %lt3A_656 = arith.constant 23 : i32
      %lt3A_657 = arith.cmpi slt, %min3A_98, %lt3A_656 : i32
      %select_n3A_658 = arith.select %lt3A_657, %broadcast_in_dim3A_651, %broadcast_in_dim3A_204 : vector<1x256xf32>
      %add3A_659 = arith.addf %add3A_640, %select_n3A_658 : vector<1x256xf32>
      %ge3A_660 = arith.constant 24 : i32
      %ge3A_661 = arith.cmpi sge, %min3A_98, %ge3A_660 : i32
      %select_n3A_662 = arith.select %ge3A_661, %mul3A_194, %mul3A_198 : vector<1x256xf32>
      %slice3A_663 = vector.extract_strided_slice %get3A_15 {offsets = [3072, 0], sizes = [128, 256], strides = [1, 1]} : vector<4096x256xf32> to vector<128x256xf32>
      %ge3A_664 = vector.broadcast %select_n3A_662 : vector<1x256xf32> to vector<128x256xf32>
      %ge3A_665 = arith.cmpf oge, %slice3A_663, %ge3A_664 : vector<128x256xf32>
      %convert_element_type3A_666 = arith.extui %ge3A_665 : vector<128x256xi1> to vector<128x256xi32>
      %convert_element_type3A_667 = arith.sitofp %convert_element_type3A_666 : vector<128x256xi32> to vector<128x256xf32>
      %reduce_sum3A_668 = arith.constant dense<0.000000e+00> : vector<256xf32>
      %reduce_sum3A_669 = vector.multi_reduction <add>, %convert_element_type3A_667, %reduce_sum3A_668 [0] : vector<128x256xf32> to vector<256xf32>
      %broadcast_in_dim3A_670 = vector.shape_cast %reduce_sum3A_669 : vector<256xf32> to vector<1x256xf32>
      %gt3A_671 = arith.constant 24 : i32
      %gt3A_672 = arith.cmpi sgt, %min3A_98, %gt3A_671 : i32
      %select_n3A_673 = arith.select %gt3A_672, %broadcast_in_dim3A_670, %broadcast_in_dim3A_204 : vector<1x256xf32>
      %add3A_674 = arith.addf %add3A_655, %select_n3A_673 : vector<1x256xf32>
      %lt3A_675 = arith.constant 24 : i32
      %lt3A_676 = arith.cmpi slt, %min3A_98, %lt3A_675 : i32
      %select_n3A_677 = arith.select %lt3A_676, %broadcast_in_dim3A_670, %broadcast_in_dim3A_204 : vector<1x256xf32>
      %add3A_678 = arith.addf %add3A_659, %select_n3A_677 : vector<1x256xf32>
      %ge3A_679 = arith.constant 25 : i32
      %ge3A_680 = arith.cmpi sge, %min3A_98, %ge3A_679 : i32
      %select_n3A_681 = arith.select %ge3A_680, %mul3A_194, %mul3A_198 : vector<1x256xf32>
      %slice3A_682 = vector.extract_strided_slice %get3A_15 {offsets = [3200, 0], sizes = [128, 256], strides = [1, 1]} : vector<4096x256xf32> to vector<128x256xf32>
      %ge3A_683 = vector.broadcast %select_n3A_681 : vector<1x256xf32> to vector<128x256xf32>
      %ge3A_684 = arith.cmpf oge, %slice3A_682, %ge3A_683 : vector<128x256xf32>
      %convert_element_type3A_685 = arith.extui %ge3A_684 : vector<128x256xi1> to vector<128x256xi32>
      %convert_element_type3A_686 = arith.sitofp %convert_element_type3A_685 : vector<128x256xi32> to vector<128x256xf32>
      %reduce_sum3A_687 = arith.constant dense<0.000000e+00> : vector<256xf32>
      %reduce_sum3A_688 = vector.multi_reduction <add>, %convert_element_type3A_686, %reduce_sum3A_687 [0] : vector<128x256xf32> to vector<256xf32>
      %broadcast_in_dim3A_689 = vector.shape_cast %reduce_sum3A_688 : vector<256xf32> to vector<1x256xf32>
      %gt3A_690 = arith.constant 25 : i32
      %gt3A_691 = arith.cmpi sgt, %min3A_98, %gt3A_690 : i32
      %select_n3A_692 = arith.select %gt3A_691, %broadcast_in_dim3A_689, %broadcast_in_dim3A_204 : vector<1x256xf32>
      %add3A_693 = arith.addf %add3A_674, %select_n3A_692 : vector<1x256xf32>
      %lt3A_694 = arith.constant 25 : i32
      %lt3A_695 = arith.cmpi slt, %min3A_98, %lt3A_694 : i32
      %select_n3A_696 = arith.select %lt3A_695, %broadcast_in_dim3A_689, %broadcast_in_dim3A_204 : vector<1x256xf32>
      %add3A_697 = arith.addf %add3A_678, %select_n3A_696 : vector<1x256xf32>
      %ge3A_698 = arith.constant 26 : i32
      %ge3A_699 = arith.cmpi sge, %min3A_98, %ge3A_698 : i32
      %select_n3A_700 = arith.select %ge3A_699, %mul3A_194, %mul3A_198 : vector<1x256xf32>
      %slice3A_701 = vector.extract_strided_slice %get3A_15 {offsets = [3328, 0], sizes = [128, 256], strides = [1, 1]} : vector<4096x256xf32> to vector<128x256xf32>
      %ge3A_702 = vector.broadcast %select_n3A_700 : vector<1x256xf32> to vector<128x256xf32>
      %ge3A_703 = arith.cmpf oge, %slice3A_701, %ge3A_702 : vector<128x256xf32>
      %convert_element_type3A_704 = arith.extui %ge3A_703 : vector<128x256xi1> to vector<128x256xi32>
      %convert_element_type3A_705 = arith.sitofp %convert_element_type3A_704 : vector<128x256xi32> to vector<128x256xf32>
      %reduce_sum3A_706 = arith.constant dense<0.000000e+00> : vector<256xf32>
      %reduce_sum3A_707 = vector.multi_reduction <add>, %convert_element_type3A_705, %reduce_sum3A_706 [0] : vector<128x256xf32> to vector<256xf32>
      %broadcast_in_dim3A_708 = vector.shape_cast %reduce_sum3A_707 : vector<256xf32> to vector<1x256xf32>
      %gt3A_709 = arith.constant 26 : i32
      %gt3A_710 = arith.cmpi sgt, %min3A_98, %gt3A_709 : i32
      %select_n3A_711 = arith.select %gt3A_710, %broadcast_in_dim3A_708, %broadcast_in_dim3A_204 : vector<1x256xf32>
      %add3A_712 = arith.addf %add3A_693, %select_n3A_711 : vector<1x256xf32>
      %lt3A_713 = arith.constant 26 : i32
      %lt3A_714 = arith.cmpi slt, %min3A_98, %lt3A_713 : i32
      %select_n3A_715 = arith.select %lt3A_714, %broadcast_in_dim3A_708, %broadcast_in_dim3A_204 : vector<1x256xf32>
      %add3A_716 = arith.addf %add3A_697, %select_n3A_715 : vector<1x256xf32>
      %ge3A_717 = arith.constant 27 : i32
      %ge3A_718 = arith.cmpi sge, %min3A_98, %ge3A_717 : i32
      %select_n3A_719 = arith.select %ge3A_718, %mul3A_194, %mul3A_198 : vector<1x256xf32>
      %slice3A_720 = vector.extract_strided_slice %get3A_15 {offsets = [3456, 0], sizes = [128, 256], strides = [1, 1]} : vector<4096x256xf32> to vector<128x256xf32>
      %ge3A_721 = vector.broadcast %select_n3A_719 : vector<1x256xf32> to vector<128x256xf32>
      %ge3A_722 = arith.cmpf oge, %slice3A_720, %ge3A_721 : vector<128x256xf32>
      %convert_element_type3A_723 = arith.extui %ge3A_722 : vector<128x256xi1> to vector<128x256xi32>
      %convert_element_type3A_724 = arith.sitofp %convert_element_type3A_723 : vector<128x256xi32> to vector<128x256xf32>
      %reduce_sum3A_725 = arith.constant dense<0.000000e+00> : vector<256xf32>
      %reduce_sum3A_726 = vector.multi_reduction <add>, %convert_element_type3A_724, %reduce_sum3A_725 [0] : vector<128x256xf32> to vector<256xf32>
      %broadcast_in_dim3A_727 = vector.shape_cast %reduce_sum3A_726 : vector<256xf32> to vector<1x256xf32>
      %gt3A_728 = arith.constant 27 : i32
      %gt3A_729 = arith.cmpi sgt, %min3A_98, %gt3A_728 : i32
      %select_n3A_730 = arith.select %gt3A_729, %broadcast_in_dim3A_727, %broadcast_in_dim3A_204 : vector<1x256xf32>
      %add3A_731 = arith.addf %add3A_712, %select_n3A_730 : vector<1x256xf32>
      %lt3A_732 = arith.constant 27 : i32
      %lt3A_733 = arith.cmpi slt, %min3A_98, %lt3A_732 : i32
      %select_n3A_734 = arith.select %lt3A_733, %broadcast_in_dim3A_727, %broadcast_in_dim3A_204 : vector<1x256xf32>
      %add3A_735 = arith.addf %add3A_716, %select_n3A_734 : vector<1x256xf32>
      %ge3A_736 = arith.constant 28 : i32
      %ge3A_737 = arith.cmpi sge, %min3A_98, %ge3A_736 : i32
      %select_n3A_738 = arith.select %ge3A_737, %mul3A_194, %mul3A_198 : vector<1x256xf32>
      %slice3A_739 = vector.extract_strided_slice %get3A_15 {offsets = [3584, 0], sizes = [128, 256], strides = [1, 1]} : vector<4096x256xf32> to vector<128x256xf32>
      %ge3A_740 = vector.broadcast %select_n3A_738 : vector<1x256xf32> to vector<128x256xf32>
      %ge3A_741 = arith.cmpf oge, %slice3A_739, %ge3A_740 : vector<128x256xf32>
      %convert_element_type3A_742 = arith.extui %ge3A_741 : vector<128x256xi1> to vector<128x256xi32>
      %convert_element_type3A_743 = arith.sitofp %convert_element_type3A_742 : vector<128x256xi32> to vector<128x256xf32>
      %reduce_sum3A_744 = arith.constant dense<0.000000e+00> : vector<256xf32>
      %reduce_sum3A_745 = vector.multi_reduction <add>, %convert_element_type3A_743, %reduce_sum3A_744 [0] : vector<128x256xf32> to vector<256xf32>
      %broadcast_in_dim3A_746 = vector.shape_cast %reduce_sum3A_745 : vector<256xf32> to vector<1x256xf32>
      %gt3A_747 = arith.constant 28 : i32
      %gt3A_748 = arith.cmpi sgt, %min3A_98, %gt3A_747 : i32
      %select_n3A_749 = arith.select %gt3A_748, %broadcast_in_dim3A_746, %broadcast_in_dim3A_204 : vector<1x256xf32>
      %add3A_750 = arith.addf %add3A_731, %select_n3A_749 : vector<1x256xf32>
      %lt3A_751 = arith.constant 28 : i32
      %lt3A_752 = arith.cmpi slt, %min3A_98, %lt3A_751 : i32
      %select_n3A_753 = arith.select %lt3A_752, %broadcast_in_dim3A_746, %broadcast_in_dim3A_204 : vector<1x256xf32>
      %add3A_754 = arith.addf %add3A_735, %select_n3A_753 : vector<1x256xf32>
      %ge3A_755 = arith.constant 29 : i32
      %ge3A_756 = arith.cmpi sge, %min3A_98, %ge3A_755 : i32
      %select_n3A_757 = arith.select %ge3A_756, %mul3A_194, %mul3A_198 : vector<1x256xf32>
      %slice3A_758 = vector.extract_strided_slice %get3A_15 {offsets = [3712, 0], sizes = [128, 256], strides = [1, 1]} : vector<4096x256xf32> to vector<128x256xf32>
      %ge3A_759 = vector.broadcast %select_n3A_757 : vector<1x256xf32> to vector<128x256xf32>
      %ge3A_760 = arith.cmpf oge, %slice3A_758, %ge3A_759 : vector<128x256xf32>
      %convert_element_type3A_761 = arith.extui %ge3A_760 : vector<128x256xi1> to vector<128x256xi32>
      %convert_element_type3A_762 = arith.sitofp %convert_element_type3A_761 : vector<128x256xi32> to vector<128x256xf32>
      %reduce_sum3A_763 = arith.constant dense<0.000000e+00> : vector<256xf32>
      %reduce_sum3A_764 = vector.multi_reduction <add>, %convert_element_type3A_762, %reduce_sum3A_763 [0] : vector<128x256xf32> to vector<256xf32>
      %broadcast_in_dim3A_765 = vector.shape_cast %reduce_sum3A_764 : vector<256xf32> to vector<1x256xf32>
      %gt3A_766 = arith.constant 29 : i32
      %gt3A_767 = arith.cmpi sgt, %min3A_98, %gt3A_766 : i32
      %select_n3A_768 = arith.select %gt3A_767, %broadcast_in_dim3A_765, %broadcast_in_dim3A_204 : vector<1x256xf32>
      %add3A_769 = arith.addf %add3A_750, %select_n3A_768 : vector<1x256xf32>
      %lt3A_770 = arith.constant 29 : i32
      %lt3A_771 = arith.cmpi slt, %min3A_98, %lt3A_770 : i32
      %select_n3A_772 = arith.select %lt3A_771, %broadcast_in_dim3A_765, %broadcast_in_dim3A_204 : vector<1x256xf32>
      %add3A_773 = arith.addf %add3A_754, %select_n3A_772 : vector<1x256xf32>
      %ge3A_774 = arith.constant 30 : i32
      %ge3A_775 = arith.cmpi sge, %min3A_98, %ge3A_774 : i32
      %select_n3A_776 = arith.select %ge3A_775, %mul3A_194, %mul3A_198 : vector<1x256xf32>
      %slice3A_777 = vector.extract_strided_slice %get3A_15 {offsets = [3840, 0], sizes = [128, 256], strides = [1, 1]} : vector<4096x256xf32> to vector<128x256xf32>
      %ge3A_778 = vector.broadcast %select_n3A_776 : vector<1x256xf32> to vector<128x256xf32>
      %ge3A_779 = arith.cmpf oge, %slice3A_777, %ge3A_778 : vector<128x256xf32>
      %convert_element_type3A_780 = arith.extui %ge3A_779 : vector<128x256xi1> to vector<128x256xi32>
      %convert_element_type3A_781 = arith.sitofp %convert_element_type3A_780 : vector<128x256xi32> to vector<128x256xf32>
      %reduce_sum3A_782 = arith.constant dense<0.000000e+00> : vector<256xf32>
      %reduce_sum3A_783 = vector.multi_reduction <add>, %convert_element_type3A_781, %reduce_sum3A_782 [0] : vector<128x256xf32> to vector<256xf32>
      %broadcast_in_dim3A_784 = vector.shape_cast %reduce_sum3A_783 : vector<256xf32> to vector<1x256xf32>
      %gt3A_785 = arith.constant 30 : i32
      %gt3A_786 = arith.cmpi sgt, %min3A_98, %gt3A_785 : i32
      %select_n3A_787 = arith.select %gt3A_786, %broadcast_in_dim3A_784, %broadcast_in_dim3A_204 : vector<1x256xf32>
      %add3A_788 = arith.addf %add3A_769, %select_n3A_787 : vector<1x256xf32>
      %lt3A_789 = arith.constant 30 : i32
      %lt3A_790 = arith.cmpi slt, %min3A_98, %lt3A_789 : i32
      %select_n3A_791 = arith.select %lt3A_790, %broadcast_in_dim3A_784, %broadcast_in_dim3A_204 : vector<1x256xf32>
      %add3A_792 = arith.addf %add3A_773, %select_n3A_791 : vector<1x256xf32>
      %ge3A_793 = arith.constant 31 : i32
      %ge3A_794 = arith.cmpi sge, %min3A_98, %ge3A_793 : i32
      %select_n3A_795 = arith.select %ge3A_794, %mul3A_194, %mul3A_198 : vector<1x256xf32>
      %slice3A_796 = vector.extract_strided_slice %get3A_15 {offsets = [3968, 0], sizes = [128, 256], strides = [1, 1]} : vector<4096x256xf32> to vector<128x256xf32>
      %ge3A_797 = vector.broadcast %select_n3A_795 : vector<1x256xf32> to vector<128x256xf32>
      %ge3A_798 = arith.cmpf oge, %slice3A_796, %ge3A_797 : vector<128x256xf32>
      %convert_element_type3A_799 = arith.extui %ge3A_798 : vector<128x256xi1> to vector<128x256xi32>
      %convert_element_type3A_800 = arith.sitofp %convert_element_type3A_799 : vector<128x256xi32> to vector<128x256xf32>
      %reduce_sum3A_801 = arith.constant dense<0.000000e+00> : vector<256xf32>
      %reduce_sum3A_802 = vector.multi_reduction <add>, %convert_element_type3A_800, %reduce_sum3A_801 [0] : vector<128x256xf32> to vector<256xf32>
      %broadcast_in_dim3A_803 = vector.shape_cast %reduce_sum3A_802 : vector<256xf32> to vector<1x256xf32>
      %gt3A_804 = arith.constant 31 : i32
      %gt3A_805 = arith.cmpi sgt, %min3A_98, %gt3A_804 : i32
      %select_n3A_806 = arith.select %gt3A_805, %broadcast_in_dim3A_803, %broadcast_in_dim3A_204 : vector<1x256xf32>
      %add3A_807 = arith.addf %add3A_788, %select_n3A_806 : vector<1x256xf32>
      %lt3A_808 = arith.constant 31 : i32
      %lt3A_809 = arith.cmpi slt, %min3A_98, %lt3A_808 : i32
      %select_n3A_810 = arith.select %lt3A_809, %broadcast_in_dim3A_803, %broadcast_in_dim3A_204 : vector<1x256xf32>
      %add3A_811 = arith.addf %add3A_792, %select_n3A_810 : vector<1x256xf32>
      %mul3A_812 = arith.constant 128 : i32
      %mul3A_813 = arith.muli %min3A_98, %mul3A_812 : i32
      %get3A_814 = arith.index_cast %mul3A_813 : i32 to index
      %get3A_815 = arith.constant 0 : index
      %get3A_816 = vector.load %arg7[%get3A_814, %get3A_815] : memref<4096x256xf32, #tpu.memory_space<vmem>>, vector<128x256xf32>
      %mul3A_817 = arith.constant 128 : i32
      %mul3A_818 = arith.muli %min3A_98, %mul3A_817 : i32
      %add3A_819 = vector.broadcast %mul3A_818 : i32 to vector<128x1xi32>
      %add3A_820 = arith.addi %iota3A_99, %add3A_819 : vector<128x1xi32>
      %lt3A_821 = vector.broadcast %get3A_4 : i32 to vector<128x1xi32>
      %lt3A_822 = arith.cmpi slt, %add3A_820, %lt3A_821 : vector<128x1xi32>
      %ge3A_823 = vector.broadcast %mul3A_194 : vector<1x256xf32> to vector<128x256xf32>
      %ge3A_824 = arith.cmpf oge, %get3A_816, %ge3A_823 : vector<128x256xf32>
      %and3A_825 = vector.broadcast %lt3A_822 : vector<128x1xi1> to vector<128x256xi1>
      %and3A_826 = arith.andi %ge3A_824, %and3A_825 : vector<128x256xi1>
      %ge3A_827 = vector.broadcast %mul3A_198 : vector<1x256xf32> to vector<128x256xf32>
      %ge3A_828 = arith.cmpf oge, %get3A_816, %ge3A_827 : vector<128x256xf32>
      %not3A_829 = arith.constant dense<true> : vector<128x1xi1>
      %not3A_830 = arith.xori %lt3A_822, %not3A_829 : vector<128x1xi1>
      %and3A_831 = vector.broadcast %not3A_830 : vector<128x1xi1> to vector<128x256xi1>
      %and3A_832 = arith.andi %ge3A_828, %and3A_831 : vector<128x256xi1>
      %convert_element_type3A_833 = arith.extui %and3A_826 : vector<128x256xi1> to vector<128x256xi32>
      %convert_element_type3A_834 = arith.sitofp %convert_element_type3A_833 : vector<128x256xi32> to vector<128x256xf32>
      %reduce_sum3A_835 = arith.constant dense<0.000000e+00> : vector<256xf32>
      %reduce_sum3A_836 = vector.multi_reduction <add>, %convert_element_type3A_834, %reduce_sum3A_835 [0] : vector<128x256xf32> to vector<256xf32>
      %broadcast_in_dim3A_837 = vector.shape_cast %reduce_sum3A_836 : vector<256xf32> to vector<1x256xf32>
      %add3A_838 = arith.addf %add3A_807, %broadcast_in_dim3A_837 : vector<1x256xf32>
      %convert_element_type3A_839 = arith.extui %and3A_832 : vector<128x256xi1> to vector<128x256xi32>
      %convert_element_type3A_840 = arith.sitofp %convert_element_type3A_839 : vector<128x256xi32> to vector<128x256xf32>
      %reduce_sum3A_841 = arith.constant dense<0.000000e+00> : vector<256xf32>
      %reduce_sum3A_842 = vector.multi_reduction <add>, %convert_element_type3A_840, %reduce_sum3A_841 [0] : vector<128x256xf32> to vector<256xf32>
      %broadcast_in_dim3A_843 = vector.shape_cast %reduce_sum3A_842 : vector<256xf32> to vector<1x256xf32>
      %add3A_844 = arith.addf %add3A_811, %broadcast_in_dim3A_843 : vector<1x256xf32>
      %ge3A_845 = vector.broadcast %min3A_18 : f32 to vector<1x256xf32>
      %ge3A_846 = arith.cmpf oge, %add3A_838, %ge3A_845 : vector<1x256xf32>
      %ge3A_847 = vector.broadcast %min3A_20 : f32 to vector<1x256xf32>
      %ge3A_848 = arith.cmpf oge, %add3A_844, %ge3A_847 : vector<1x256xf32>
      %select_n3A_849 = arith.select %ge3A_846, %mul3A_194, %scan3A_187 : vector<1x256xi1>, vector<1x256xf32>
      %select_n3A_850 = arith.select %ge3A_846, %scan3A_188, %mul3A_194 : vector<1x256xi1>, vector<1x256xf32>
      %select_n3A_851 = arith.select %ge3A_848, %mul3A_198, %scan3A_189 : vector<1x256xi1>, vector<1x256xf32>
      %select_n3A_852 = arith.select %ge3A_848, %scan3A_190, %mul3A_198 : vector<1x256xi1>, vector<1x256xf32>
      scf.yield %select_n3A_849, %select_n3A_850, %select_n3A_851, %select_n3A_852 : vector<1x256xf32>, vector<1x256xf32>, vector<1x256xf32>, vector<1x256xf32>
    }
    %gt3A_104 = vector.broadcast %scan3A_103#0 : vector<1x256xf32> to vector<4096x256xf32>
    %gt3A_105 = arith.cmpf ogt, %get3A_15, %gt3A_104 : vector<4096x256xf32>
    %and3A_106 = vector.broadcast %lt3A_22 : vector<4096x1xi1> to vector<4096x256xi1>
    %and3A_107 = arith.andi %gt3A_105, %and3A_106 : vector<4096x256xi1>
    %convert_element_type3A_108 = arith.extui %and3A_107 : vector<4096x256xi1> to vector<4096x256xi32>
    %convert_element_type3A_109 = arith.sitofp %convert_element_type3A_108 : vector<4096x256xi32> to vector<4096x256xf32>
    %gt3A_110 = vector.broadcast %scan3A_103#2 : vector<1x256xf32> to vector<4096x256xf32>
    %gt3A_111 = arith.cmpf ogt, %get3A_15, %gt3A_110 : vector<4096x256xf32>
    %not3A = arith.constant dense<true> : vector<4096x1xi1>
    %not3A_112 = arith.xori %lt3A_22, %not3A : vector<4096x1xi1>
    %and3A_113 = vector.broadcast %not3A_112 : vector<4096x1xi1> to vector<4096x256xi1>
    %and3A_114 = arith.andi %gt3A_111, %and3A_113 : vector<4096x256xi1>
    %convert_element_type3A_115 = arith.extui %and3A_114 : vector<4096x256xi1> to vector<4096x256xi32>
    %convert_element_type3A_116 = arith.sitofp %convert_element_type3A_115 : vector<4096x256xi32> to vector<4096x256xf32>
    %mul3A_117 = arith.mulf %convert_element_type3A_109, %get3A_15 : vector<4096x256xf32>
    %reduce_sum3A_118 = arith.constant dense<0.000000e+00> : vector<256xf32>
    %reduce_sum3A_119 = vector.multi_reduction <add>, %mul3A_117, %reduce_sum3A_118 [0] : vector<4096x256xf32> to vector<256xf32>
    %broadcast_in_dim3A_120 = vector.shape_cast %reduce_sum3A_119 : vector<256xf32> to vector<1x256xf32>
    %mul3A_121 = arith.mulf %convert_element_type3A_116, %get3A_15 : vector<4096x256xf32>
    %reduce_sum3A_122 = arith.constant dense<0.000000e+00> : vector<256xf32>
    %reduce_sum3A_123 = vector.multi_reduction <add>, %mul3A_121, %reduce_sum3A_122 [0] : vector<4096x256xf32> to vector<256xf32>
    %broadcast_in_dim3A_124 = vector.shape_cast %reduce_sum3A_123 : vector<256xf32> to vector<1x256xf32>
    %reduce_sum3A_125 = arith.constant dense<0.000000e+00> : vector<256xf32>
    %reduce_sum3A_126 = vector.multi_reduction <add>, %convert_element_type3A_109, %reduce_sum3A_125 [0] : vector<4096x256xf32> to vector<256xf32>
    %broadcast_in_dim3A_127 = vector.shape_cast %reduce_sum3A_126 : vector<256xf32> to vector<1x256xf32>
    %reduce_sum3A_128 = arith.constant dense<0.000000e+00> : vector<256xf32>
    %reduce_sum3A_129 = vector.multi_reduction <add>, %convert_element_type3A_116, %reduce_sum3A_128 [0] : vector<4096x256xf32> to vector<256xf32>
    %broadcast_in_dim3A_130 = vector.shape_cast %reduce_sum3A_129 : vector<256xf32> to vector<1x256xf32>
    %gt3A_131 = arith.constant -9.99999968E+37 : f32
    %gt3A_132 = vector.broadcast %gt3A_131 : f32 to vector<1x256xf32>
    %gt3A_133 = arith.cmpf ogt, %scan3A_103#0, %gt3A_132 : vector<1x256xf32>
    %jit3A_134 = arith.constant 0.000000e+00 : f32
    %broadcast_in_dim3A_135 = vector.broadcast %jit3A_134 : f32 to vector<1x256xf32>
    %select_n3A_136 = arith.select %gt3A_133, %scan3A_103#0, %broadcast_in_dim3A_135 : vector<1x256xi1>, vector<1x256xf32>
    %gt3A_137 = arith.constant -9.99999968E+37 : f32
    %gt3A_138 = vector.broadcast %gt3A_137 : f32 to vector<1x256xf32>
    %gt3A_139 = arith.cmpf ogt, %scan3A_103#2, %gt3A_138 : vector<1x256xf32>
    %jit3A_140 = arith.constant 0.000000e+00 : f32
    %broadcast_in_dim3A_141 = vector.broadcast %jit3A_140 : f32 to vector<1x256xf32>
    %select_n3A_142 = arith.select %gt3A_139, %scan3A_103#2, %broadcast_in_dim3A_141 : vector<1x256xi1>, vector<1x256xf32>
    %gt3A_143 = arith.constant 0.000000e+00 : f32
    %gt3A_144 = arith.cmpf ogt, %min3A_18, %gt3A_143 : f32
    %sub3A_145 = vector.broadcast %min3A_18 : f32 to vector<1x256xf32>
    %sub3A_146 = arith.subf %sub3A_145, %broadcast_in_dim3A_127 : vector<1x256xf32>
    %mul3A_147 = arith.mulf %sub3A_146, %select_n3A_136 : vector<1x256xf32>
    %add3A = arith.addf %broadcast_in_dim3A_120, %mul3A_147 : vector<1x256xf32>
    %max3A_148 = arith.constant 1.000000e+00 : f32
    %max3A_149 = arith.maximumf %min3A_18, %max3A_148 : f32
    %div3A_150 = vector.broadcast %max3A_149 : f32 to vector<1x256xf32>
    %div3A_151 = arith.divf %add3A, %div3A_150 : vector<1x256xf32>
    %jit3A_152 = arith.constant 0.000000e+00 : f32
    %broadcast_in_dim3A_153 = vector.broadcast %jit3A_152 : f32 to vector<1x256xf32>
    %select_n3A_154 = arith.select %gt3A_144, %div3A_151, %broadcast_in_dim3A_153 : vector<1x256xf32>
    %gt3A_155 = arith.constant 0.000000e+00 : f32
    %gt3A_156 = arith.cmpf ogt, %min3A_20, %gt3A_155 : f32
    %sub3A_157 = vector.broadcast %min3A_20 : f32 to vector<1x256xf32>
    %sub3A_158 = arith.subf %sub3A_157, %broadcast_in_dim3A_130 : vector<1x256xf32>
    %mul3A_159 = arith.mulf %sub3A_158, %select_n3A_142 : vector<1x256xf32>
    %add3A_160 = arith.addf %broadcast_in_dim3A_124, %mul3A_159 : vector<1x256xf32>
    %max3A_161 = arith.constant 1.000000e+00 : f32
    %max3A_162 = arith.maximumf %min3A_20, %max3A_161 : f32
    %div3A_163 = vector.broadcast %max3A_162 : f32 to vector<1x256xf32>
    %div3A_164 = arith.divf %add3A_160, %div3A_163 : vector<1x256xf32>
    %jit3A_165 = arith.constant 0.000000e+00 : f32
    %broadcast_in_dim3A_166 = vector.broadcast %jit3A_165 : f32 to vector<1x256xf32>
    %select_n3A_167 = arith.select %gt3A_156, %div3A_164, %broadcast_in_dim3A_166 : vector<1x256xf32>
    %max3A_168 = arith.constant 9.99999996E-13 : f32
    %max3A_169 = vector.broadcast %max3A_168 : f32 to vector<1x256xf32>
    %max3A_170 = arith.maximumf %sqrt3A, %max3A_169 : vector<1x256xf32>
    %div3A_171 = arith.constant 1.000000e+00 : f32
    %div3A_172 = vector.broadcast %div3A_171 : f32 to vector<1x256xf32>
    %div3A_173 = arith.divf %div3A_172, %max3A_170 : vector<1x256xf32>
    %mul3A_174 = arith.mulf %select_n3A_154, %div3A_173 : vector<1x256xf32>
    %reshape3A_175 = vector.shape_cast %mul3A_174 : vector<1x256xf32> to vector<1x1x256xf32>
    %swap3A_176 = arith.constant 0 : index
    %swap3A_177 = arith.constant 0 : index
    %swap3A_178 = arith.constant 0 : index
    %swap3A_179 = vector.load %arg4[%swap3A_176, %swap3A_177, %swap3A_178] : memref<1x1x256xf32, #tpu.memory_space<vmem>>, vector<1x1x256xf32>
    tpu.vector_store %arg4[%swap3A_176, %swap3A_177, %swap3A_178], %reshape3A_175 {strides = array<i32>} : memref<1x1x256xf32, #tpu.memory_space<vmem>>, vector<1x1x256xf32>,
    %mul3A_180 = arith.mulf %select_n3A_167, %div3A_173 : vector<1x256xf32>
    %reshape3A_181 = vector.shape_cast %mul3A_180 : vector<1x256xf32> to vector<1x1x256xf32>
    %swap3A_182 = arith.constant 0 : index
    %swap3A_183 = arith.constant 0 : index
    %swap3A_184 = arith.constant 0 : index
    %swap3A_185 = vector.load %arg5[%swap3A_182, %swap3A_183, %swap3A_184] : memref<1x1x256xf32, #tpu.memory_space<vmem>>, vector<1x1x256xf32>
    tpu.vector_store %arg5[%swap3A_182, %swap3A_183, %swap3A_184], %reshape3A_181 {strides = array<i32>} : memref<1x1x256xf32, #tpu.memory_space<vmem>>, vector<1x1x256xf32>,
    return
  }
  func.func @transform_0(%arg0: i32) -> (i32, i32) {
    %c0_i32 = arith.constant 0 : i32
    %c0_i32_0 = arith.constant 0 : i32
    %c0_i32_1 = arith.constant 0 : i32
    return %c0_i32, %c0_i32_0 : i32, i32
  }
  func.func @transform_1(%arg0: i32) -> (i32, i32) {
    %c0_i32 = arith.constant 0 : i32
    %c0_i32_0 = arith.constant 0 : i32
    %c0_i32_1 = arith.constant 0 : i32
    return %c0_i32, %c0_i32_0 : i32, i32
  }
  func.func @transform_2(%arg0: i32) -> (i32, i32) {
    %c0_i32 = arith.constant 0 : i32
    %c0_i32_0 = arith.constant 0 : i32
    return %c0_i32, %arg0 : i32, i32
  }
  func.func @transform_3(%arg0: i32) -> (i32, i32, i32) {
    %c0_i32 = arith.constant 0 : i32
    %c0_i32_0 = arith.constant 0 : i32
    %c0_i32_1 = arith.constant 0 : i32
    return %arg0, %c0_i32, %c0_i32_0 : i32, i32, i32
  }
  func.func @transform_4(%arg0: i32) -> (i32, i32, i32) {
    %c0_i32 = arith.constant 0 : i32
    %c0_i32_0 = arith.constant 0 : i32
    %c0_i32_1 = arith.constant 0 : i32
    return %arg0, %c0_i32, %c0_i32_0 : i32, i32, i32
  }
}

</mosaic_0001>

<sc_bundles>
// kernel: kernel.4.cloned.1.call-start
scs
__scs_entry_jumppad:
0x0: {  	(pc) =	sbr.rel $0x88, $3  }
0x1: {  	(tag) =	ssettag $0x0;
	lr =	simm.s32 $0x1  }
0x2: {  	[smem:$0x3F9D] =	sst lr;
	_ =	strace $0xD0000000  }
0x3: {  	_ = 	snop  }
0x4: {  	_ = 	snop  }
0x5: {  	_ = 	snop  }
0x6: {  	_ = 	snop  }
0x7: {  	_ = 	snop  }
__scs_overlays_trampoline_lowered:
0x8: {  	[smem:$0x3FAC] =	sst s0  }
0x9: {  	[smem:$0x3FAD] =	sst s1  }
0xa: {  	[smem:$0x3FAE] =	sst s2  }
0xb: {  	[smem:$0x3FAF] =	sst s3  }
0xc: {  	[smem:$0x3FB0] =	sst s4  }
0xd: {  	[smem:$0x3FB1] =	sst s5  }
0xe: {  	[smem:$0x3FB2] =	sst s6  }
0xf: {  	[smem:$0x3FB3] =	sst s7  }
0x10: {  	[smem:$0x3FB4] =	sst s8  }
0x11: {  	[smem:$0x3FB5] =	sst s9;
	s0 =	simm.s32 @!p0 $0x0  }
0x12: {  	s1 =	sld [smem:$0x3F9B];
	s0 =	simm.s32 @p0 $0x1  }
0x13: {  	[smem:$0x3FB6] =	sst s0;
	s0 =	simm.s32 @!p1 $0x0  }
0x14: {  	s2 =	sld [smem:$0x3F9A];
	s0 =	simm.s32 @p1 $0x1  }
0x15: {  	[smem:$0x3FB7] =	sst s0;
	s0 =	simm.s32 @!p2 $0x0  }
0x16: {  	s3 =	sld [smem:$0x3FDB];
	s0 =	simm.s32 @p2 $0x1  }
0x17: {  	s4 =	simm.s32 $0x1BF5;
	[smem:$0x3FB9] =	sst s0  }
0x18: {  	s0 =	sld [smem:$0x3F9C];
	_ =	swait.ge [sflag:s4], $0x0  }
0x19: {  	s7 =	sld [smem:$0x3F9D]  }
0x1a: {  	s8 =	sadd.s32 $0xFFFFE003, lr  }
0x1b: {  	s9 =	sadd.s32 $0xFFFFFEF7, lr;
	s5 =	simm.s32 $0xFFFFFFFF;
	p2 =	slt.u32 s8, $0xFFFFF086  }
0x1c: {  	p1 =	slt.u32 s9, $0xF7A;
	s5 =	simm.s32 @!p2 $0x0  }
0x1d: {  	s5 =	simm.s32 @p1 $0x1;
	p0 =	seq.s32 s7, s2  }
0x1e: {  	s7 =	smul.u32 @!p0 $0xF7A, s2;
	p2 =	seq.s32 @!p0 s5, $0x0  }
0x1f: {  	s9 =	smul.u32 $0xF7A, s1;
	s8 =	simm.s32 @!p0 $0x1BF5;
	p2 =	por !p2, p0  }
0x20: {  	[sflag:s8] =	ssyncset.s32 @!p0 $0xFFFFF086;
	s6 =	sadd.s32 @!p0 s3, s7;
	s7 =	simm.s32 @!p0 $0x108  }
0x21: {  	s3 =	sadd.s32 s3, s9;
	s6 =	sadd.s32 @!p0 $0x88, s6;
	s7 =	simm.s32 @p2 $0x1082  }
0x22: {  	[simem:s7], [sflag:s8] =	dma.local @!p0 [hbm:s6], $0xF7A  }
0x23: {  	s9 =	sor.u32 $0xD0000000, s2;
	s6 =	simm.s32 $0x108;
	_ =	swait.ge @!p0 [sflag:s8], $0x0  }
0x24: {  	s3 =	sadd.s32 $0x88, s3;
	s6 =	simm.s32 @!p1 $0x1082;
	[sflag:s4] =	ssyncset.s32 $0xFFFFF086  }
0x25: {  	[simem:s6], [sflag:s4] =	dma.local [hbm:s3], $0xF7A  }
0x26: {  	[smem:$0x3F9D] =	sst s1;
	(tag) =	ssettag s2;
	_ =	strace s9  }
0x27: {  	s1 =	sld [smem:$0x3FAD]  }
0x28: {  	s2 =	sld [smem:$0x3FAE]  }
0x29: {  	s4 =	sld [smem:$0x3FB0]  }
0x2a: {  	p0 =	seq.s32 s5, $0x0;
	s5 =	sld [smem:$0x3FB1]  }
0x2b: {  	s6 =	sld [smem:$0x3FB2]  }
0x2c: {  	s7 =	sld [smem:$0x3FB3]  }
0x2d: {  	s3 =	simm.s32 $0x108;
	s8 =	sld [smem:$0x3FB4]  }
0x2e: {  	s3 =	simm.s32 @!p0 $0x1082;
	s9 =	sld [smem:$0x3FB5]  }
0x2f: {  	lr =	sadd.s32 s0, s3;
	s0 =	sld [smem:$0x3FAC]  }
0x30: {  	s3 =	sld [smem:$0x3FAF]  }
0x31: {  	[smem:$0x3FB8] =	sst s10  }
0x32: {  	s10 =	sld [smem:$0x3FB6];
	_ =	sdelay $0x3  }
0x33: {  	p0 =	seq.s32 s10, $0x1;
	s10 =	sld [smem:$0x3FB8];
	_ =	sdelay $0x3  }
0x34: {  	[smem:$0x3FB8] =	sst s10  }
0x35: {  	s10 =	sld [smem:$0x3FB7];
	_ =	sdelay $0x3  }
0x36: {  	p1 =	seq.s32 s10, $0x1;
	s10 =	sld [smem:$0x3FB8];
	_ =	sdelay $0x3  }
0x37: {  	[smem:$0x3FB8] =	sst s10  }
0x38: {  	s10 =	sld [smem:$0x3FB9]  }
0x39: {  	_ = 	snop;
	(pc) =	sbr.ind lr, $3  }
0x3a: {  	_ = 	snop  }
0x3b: {  	_ = 	snop  }
0x3c: {  	p2 =	seq.s32 s10, $0x1;
	s10 =	sld [smem:$0x3FB8]  }
0x3d: {  	_ =	shalt  }
0x3e: {  	_ =	shalt  }
0x3f: {  	_ =	shalt  }
0x40: {  	_ =	shalt  }
0x41: {  	_ =	shalt  }
0x42: {  	_ =	shalt  }
0x43: {  	_ =	shalt  }
0x44: {  	_ =	shalt  }
0x45: {  	_ =	shalt  }
0x46: {  	_ =	shalt  }
0x47: {  	_ =	shalt  }
0x48: {  	_ =	shalt  }
0x49: {  	_ =	shalt  }
0x4a: {  	_ =	shalt  }
0x4b: {  	_ =	shalt  }
0x4c: {  	_ =	shalt  }
0x4d: {  	_ =	shalt  }
0x4e: {  	_ =	shalt  }
0x4f: {  	_ =	shalt  }
0x50: {  	_ =	shalt  }
0x51: {  	_ =	shalt  }
0x52: {  	_ =	shalt  }
0x53: {  	_ =	shalt  }
0x54: {  	_ =	shalt  }
0x55: {  	_ =	shalt  }
0x56: {  	_ =	shalt  }
0x57: {  	_ =	shalt  }
0x58: {  	_ =	shalt  }
0x59: {  	_ =	shalt  }
0x5a: {  	_ =	shalt  }
0x5b: {  	_ =	shalt  }
0x5c: {  	_ =	shalt  }
0x5d: {  	_ =	shalt  }
0x5e: {  	_ =	shalt  }
0x5f: {  	_ =	shalt  }
0x60: {  	_ =	shalt  }
0x61: {  	_ =	shalt  }
0x62: {  	_ =	shalt  }
0x63: {  	_ =	shalt  }
0x64: {  	_ =	shalt  }
0x65: {  	_ =	shalt  }
0x66: {  	_ =	shalt  }
0x67: {  	_ =	shalt  }
0x68: {  	_ =	shalt  }
0x69: {  	_ =	shalt  }
0x6a: {  	_ =	shalt  }
0x6b: {  	_ =	shalt  }
0x6c: {  	_ =	shalt  }
0x6d: {  	_ =	shalt  }
0x6e: {  	_ =	shalt  }
0x6f: {  	_ =	shalt  }
0x70: {  	_ =	shalt  }
0x71: {  	_ =	shalt  }
0x72: {  	_ =	shalt  }
0x73: {  	_ =	shalt  }
0x74: {  	_ =	shalt  }
0x75: {  	_ =	shalt  }
0x76: {  	_ =	shalt  }
0x77: {  	_ =	shalt  }
0x78: {  	_ =	shalt  }
0x79: {  	_ =	shalt  }
0x7a: {  	_ =	shalt  }
0x7b: {  	_ =	shalt  }
0x7c: {  	_ =	shalt  }
0x7d: {  	_ =	shalt  }
0x7e: {  	_ =	shalt  }
0x7f: {  	_ =	shalt  }
0x80: {  	_ =	shalt  }
0x81: {  	_ =	shalt  }
0x82: {  	_ =	shalt  }
0x83: {  	_ =	shalt  }
0x84: {  	_ =	shalt  }
0x85: {  	_ =	shalt  }
0x86: {  	_ =	shalt  }
0x87: {  	_ =	shalt  }
.Lfunc_end0:
.L_simem_size_0:
called_computation_lowered:
.L_overlay_start_0:
0x88: {  	s2 =	sld [smem:$0x3FD9]  }
0x89: {  	s3 =	sld [smem:$0x3FFE];
	_ =	sdelay $0x1  }
0x8a: {  	s1 =	srdreg.scid  }
0x8b: {  	s0 =	sand.u32 $0x1, s1  }
0x8c: {  	s14 =	sshll.u32 s0, $0xA;
	s2 =	sadd.s32 s3, s2  }
0x8d: {  	s2 =	sadd.s32 s2, s14  }
0x8e: {  	[smem:$0x3FC4] =	sst s2  }
0x8f: {  	_ = 	snop  }
0x90: {  	s2 =	sld [smem:$0x3FD0];
	_ =	sdelay $0x2  }
0x91: {  	s4 =	simm.s32 $0xA;
	s5 =	simm.s32 $0x10;
	s15 =	sld [smem:$0x3FC7]  }
0x92: {  	[smem:s5], [sflag:s4] =	dma.local [hbm:s2], $0x1  }
0x93: {  	_ =	swait.eq [sflag:s4], $0x1  }
0x94: {  	[sflag:s4] =	ssyncset.done $0x0  }
0x95: {  	[sflag:s4] =	ssyncadd.s32 $0xFFFFFFFF  }
0x96: {  	s16 =	sld [smem:$0x11];
	(tm) =	ssettm $0x1  }
0x97: {  	s17 =	sld [smem:$0x3FFB];
	_ =	sdelay $0x3  }
0x98: {  	_ =	strace s17  }
0x99: {  	s4 =	sld [smem:$0x3FFC];
	_ =	sdelay $0x3  }
0x9a: {  	_ =	strace s4  }
0x9b: {  	s4 =	sld [smem:$0x3FFD];
	_ =	sdelay $0x3  }
0x9c: {  	_ =	strace s4  }
0x9d: {  	_ =	strace $0x8FFFFFFF  }
0x9e: {  	s18 =	sld [smem:$0x3FDB];
	_ =	sdelay $0x1  }
0x9f: {  	s19 =	simm.s32 $_scs_section_size  }
0xa0: {  	s6 =	simm.s32 $_size__tile_overlayer_lowered;
	s7 =	simm.s32 $_tile_overlayer_lowered  }
0xa1: {  	s22 =	simm.s32 $0x1BFF;
	s21 =	sshll.u32 s7, $0x1;
	s4 =	sadd.s32 s19, s18  }
0xa2: {  	s8 =	simm.s32 $0x0;
	s20 =	sshll.u32 s6, $0x1;
	s6 =	sadd.s32 s21, s4  }
0xa3: {  	[timem:s8], [sflag:s22] =	dma.local [hbm:s6], s20  }
0xa4: {  	_ =	swait.ge [sflag:s22], s20  }
0xa5: {  	s5 =	ssub.s32 $0x0, s20;
	[sflag:s22] =	ssyncset.done $0x0  }
0xa6: {  	[sflag:s22] =	ssyncadd.s32 s5;
	_ =	sdelay $0x1  }
0xa7: {  	s23 =	simm.s32 $0x1B8B  }
0xa8: {  	_ =	swait.ge [sflag:s23], $0x1  }
0xa9: {  	[sflag:s23] =	ssyncset.done $0x0  }
0xaa: {  	s25 =	simm.s32 $0x1B8E;
	s24 =	sld [smem:$0x3FFE];
	[sflag:s23] =	ssyncadd.s32 $0xFFFFFFFF  }
0xab: {  	s26 =	simm.s32 $execute0_lowered;
	[smem:$0x3FD2] =	sst s25  }
0xac: {  	s6 =	sshll.u32 s26, $0x1;
	_ =	strace $0x80000046;
	[dreg:$0x1] =	wrdreg $0xFFFFFFFF  }
0xad: {  	s28 =	simm.s32 $_size_execute0_lowered;
	s4 =	sadd.s32 s4, s6;
	[dreg:$0x0] =	wrdreg $0x0  }
0xae: {  	s6 =	sshll.u32 s28, $0x1;
	[dreg:$0x2] =	wrdreg s4  }
0xaf: {  	[dreg:$0x3] =	wrdreg s6  }
0xb0: {  	[dreg:$0x4] =	wrdreg $0xC0  }
0xb1: {  	_ =	task [dreg:s8], $0x5FFFF  }
0xb2: {  	[dreg:$0x1] =	wrdreg $0xFFFFFFFF  }
0xb3: {  	[dreg:$0x0] =	wrdreg $0x60  }
0xb4: {  	[dreg:$0x2] =	wrdreg s15  }
0xb5: {  	[dreg:$0x3] =	wrdreg s16  }
0xb6: {  	[dreg:$0x4] =	wrdreg s24  }
0xb7: {  	[dreg:$0x5] =	wrdreg $0x9  }
0xb8: {  	_ =	task.clear_ibuf [dreg:s8], $0x6FFFF;
	_ =	strace $0x90000046  }
0xb9: {  	s29 =	simm.s32 $0x9;
	_ =	strace $0x80000048  }
0xba: {  	_ =	swait.ge [sflag:s29], $0x1  }
0xbb: {  	[sflag:s29] =	ssyncadd.s32 $0xFFFFFFFF  }
0xbc: {  	_ =	strace $0x90000048  }
0xbd: {  	_ =	sfence  }
0xbe: {  	s30 =	sld [smem:$0x0];
	_ =	sdelay $0x2  }
0xbf: {  	s31 =	sshll.u32 s1, $0xD;
	s1 =	sshrl.u32 s1, $0x2  }
0xc0: {  	s3 =	sand.u32 $0x4000, s31;
	s1 =	sadd.s32 s1, s30  }
0xc1: {  	s0 =	sor.u32 s3, s0;
	s1 =	sshll.u32 s1, $0x11  }
0xc2: {  	s0 =	sor.u32 s1, s0  }
0xc3: {  	s0 =	sadd.s32 $0x8F2B, s0  }
0xc4: {  	[sflag:s0] =	ssyncadd.remote.s32 $0x1  }
0xc5: {  	_ =	sfence.sel $0xFFFF  }
0xc6: {  	[dreg:$0x0] =	wrdreg $0xFFFFFFFF;
	(pc) =	sbr.abs _section_cstart, $3  }
0xc7: {  	[dreg:$0x1] =	wrdreg $0xFFFFFFFF  }
0xc8: {  	_ =	task.clear_ibuf [dreg:s8], $0x2FFFF;
	_ =	strace $0x9FFFFFFF  }
0xc9: {  	(tm) =	ssettm $0x7FFFFFFF  }
tec
execute0_lowered:
.L_overlay_start_1:
0x0: {  	(tag) =	ssettag $0x1  }
0x1: {  	s1 =	rddreg [dreg:$0x0]  }
0x2: {  	s2 =	srdreg.scid;
	s4 =	rddreg [dreg:$0x1]  }
0x3: {  	s0 =	stileid.u32;
	s5 =	rddreg [dreg:$0x2];
	s3 =	simm.s32 $0x0  }
0x4: {  	s18 =	simm.s32 $0x880;
	s19 =	simm.s32 $0xC80;
	s20 =	simm.s32 $0x1480  }
0x5: {  	s21 =	simm.s32 $0x1880;
	s23 =	simm.s32 $0x2080;
	s24 =	simm.s32 $0x2480  }
0x6: {  	s25 =	simm.s32 $0x2C80;
	s26 =	simm.s32 $0x3080;
	s9 =	simm.s32 $0x3C80  }
0x7: {  	s10 =	simm.s32 $0x4480;
	s11 =	simm.s32 $0x4880;
	[smem:$0x7FF] =	sst s3  }
0x8: {  	s12 =	simm.s32 $0x5080;
	_ =	strace $0x80000047;
	[dreg:$0x6] =	wrdreg s18  }
0x9: {  	s13 =	simm.s32 $0x5480;
	s14 =	simm.s32 $0x5C80;
	[dreg:$0x7] =	wrdreg s19  }
0xa: {  	s15 =	simm.s32 $0x6080;
	s16 =	simm.s32 $0x6880;
	[dreg:$0x8] =	wrdreg s20  }
0xb: {  	s28 =	simm.s32 $0xA880;
	s29 =	simm.s32 $0xB080;
	[dreg:$0x9] =	wrdreg s21  }
0xc: {  	s30 =	simm.s32 $0xB480;
	s31 =	simm.s32 $0xBC80;
	[dreg:$0xa] =	wrdreg s23  }
0xd: {  	s2 =	sand.u32 $0x1, s2;
	s6 =	sshll.u32 s0, $0x5;
	[dreg:$0xb] =	wrdreg s24  }
0xe: {  	s7 =	sshll.u32 s2, $0x4;
	s2 =	ssub.s32 $0x2, s2;
	[dreg:$0xc] =	wrdreg s25  }
0xf: {  	[dreg:$0xd] =	wrdreg s26;
	s18 =	simm.s32 $0x7480;
	s19 =	simm.s32 $0x7880  }
0x10: {  	s20 =	simm.s32 $0x8080;
	s21 =	simm.s32 $0x8480;
	s23 =	simm.s32 $0x9080  }
0x11: {  	s24 =	simm.s32 $0x9880;
	s25 =	simm.s32 $0x9C80;
	s6 =	sor.u32 s7, s6  }
0x12: {  	s26 =	simm.s32 $0xA480;
	s22 =	sshrl.u32 s2, $0x1;
	s7 =	smul.u32 $0x180, s6  }
0x13: {  	s4 =	sadd.s32 s4, s6;
	s2 =	ssub.s32 s2, s22;
	s6 =	simm.s32 $0x2  }
0x14: {  	v2 =	vlaneseq.u32;
	s22 =	simm.s32 $0x8C80;
	[dreg:$0x4] =	wrdreg s4;
	s4 =	sadd.s32 $0x100, s1  }
0x15: {  	vm0 =	vmmov $0xffff;
	vm1 =	vmmov $0xff;
	v1 =	vshrl.u32 v2, $0x3;
	s17 =	sadd.s32 s5, s7;
	s5 =	smax.u32 s2, $0x1;
	s7 =	simm.s32 $0x80  }
0x16: {  	v0 =	vand.u32 $0x7, v2;
	v2 =	vor.u32 $0x8, v2;
	v1 =	vmul.u32 $0x8, v1;
	s2 =	simm.s32 $0x1;
	[dreg:$0x5] =	wrdreg s17;
	s17 =	simm.s32 $0x6C80  }
.LBB2_1:
0x17: {  	s0 =	rddreg [dreg:$0x4]  }
0x18: {  	[tilespmem:s3], [sflag:$0x2] =	stream.linear.gather [hbm4b:s0+s3], $0x80, $0x38;
	[tilespmem:$0xC080] =	vst v63  }
0x19: {  	_ =	swait.ge [sflag:s6], $0x80  }
0x1a: {  	[sflag:s6] =	ssyncset.done $0x0  }
0x1b: {  	[sflag:s6] =	ssyncadd.s32 $0xFFFFFF80  }
0x1c: {  	v3 =	vld [tilespmem:$0x0];
	_ =	sdelay $0x4  }
0x1d: {  	v4 =	vshrl.u32 v3, $0x3  }
0x1e: {  	v4 =	vmul.u32 $0x18, v4  }
0x1f: {  	v3 =	vand.u32 $0x7, v3  }
0x20: {  	v3 =	vor.u32 v3, v4  }
0x21: {  	v4 =	vperm.xlane v3, v0;
	_ =	sdelay $0x1  }
0x22: {  	v4 =	vadd.s32 v1, v4;
	_ =	sdelay $0x1  }
0x23: {  	v3 =	vperm.xlane v3, v2;
	_ =	sdelay $0x1  }
0x24: {  	v3 =	vadd.s32 v1, v3  }
0x25: {  	[tilespmem:s7], [sflag:$0x1] =	stream.indirect_vreg.gather [hbm4b:s1+s3], $0x80, v4, vm0, $0xb8;
	[tilespmem:$0xC080] =	vst v63  }
0x26: {  	s0 =	rddreg [dreg:$0x6]  }
0x27: {  	[tilespmem:s0], [sflag:$0x1] =	stream.indirect_vreg.gather [hbm4b:s4+s3], $0x80, v4, vm1, $0xb8;
	[tilespmem:$0xC080] =	vst v63  }
0x28: {  	s8 =	rddreg [dreg:$0x7]  }
0x29: {  	[tilespmem:s8], [sflag:$0x1] =	stream.indirect_vreg.gather [hbm4b:s1+s3], $0x80, v3, vm0, $0xb8;
	[tilespmem:$0xC080] =	vst v63  }
0x2a: {  	s0 =	rddreg [dreg:$0x8]  }
0x2b: {  	[tilespmem:s0], [sflag:$0x1] =	stream.indirect_vreg.gather [hbm4b:s4+s3], $0x80, v3, vm1, $0xb8;
	[tilespmem:$0xC080] =	vst v63  }
0x2c: {  	v3 =	vld [tilespmem:$0x10];
	_ =	sdelay $0x4  }
0x2d: {  	v57 =	vshrl.u32 v3, $0x3  }
0x2e: {  	v4 =	vmul.u32 $0x18, v57  }
0x2f: {  	v3 =	vand.u32 $0x7, v3  }
0x30: {  	v3 =	vor.u32 v3, v4  }
0x31: {  	v4 =	vperm.xlane v3, v0;
	_ =	sdelay $0x1  }
0x32: {  	v4 =	vadd.s32 v1, v4;
	_ =	sdelay $0x1  }
0x33: {  	v3 =	vperm.xlane v3, v2;
	_ =	sdelay $0x1  }
0x34: {  	s0 =	rddreg [dreg:$0x9];
	v3 =	vadd.s32 v1, v3  }
0x35: {  	[tilespmem:s0], [sflag:$0x1] =	stream.indirect_vreg.gather [hbm4b:s1+s3], $0x80, v4, vm0, $0xb8;
	[tilespmem:$0xC080] =	vst v63  }
0x36: {  	s8 =	rddreg [dreg:$0xa]  }
0x37: {  	[tilespmem:s8], [sflag:$0x1] =	stream.indirect_vreg.gather [hbm4b:s4+s3], $0x80, v4, vm1, $0xb8;
	[tilespmem:$0xC080] =	vst v63  }
0x38: {  	s0 =	rddreg [dreg:$0xb]  }
0x39: {  	[tilespmem:s0], [sflag:$0x1] =	stream.indirect_vreg.gather [hbm4b:s1+s3], $0x80, v3, vm0, $0xb8;
	[tilespmem:$0xC080] =	vst v63  }
0x3a: {  	s8 =	rddreg [dreg:$0xc]  }
0x3b: {  	[tilespmem:s8], [sflag:$0x1] =	stream.indirect_vreg.gather [hbm4b:s4+s3], $0x80, v3, vm1, $0xb8;
	[tilespmem:$0xC080] =	vst v63  }
0x3c: {  	v3 =	vld [tilespmem:$0x20];
	_ =	sdelay $0x4  }
0x3d: {  	v58 =	vshrl.u32 v3, $0x3  }
0x3e: {  	v4 =	vmul.u32 $0x18, v58  }
0x3f: {  	v3 =	vand.u32 $0x7, v3  }
0x40: {  	v3 =	vor.u32 v3, v4  }
0x41: {  	v4 =	vperm.xlane v3, v0;
	_ =	sdelay $0x1  }
0x42: {  	v4 =	vadd.s32 v1, v4;
	_ =	sdelay $0x1  }
0x43: {  	v3 =	vperm.xlane v3, v2;
	_ =	sdelay $0x1  }
0x44: {  	s8 =	rddreg [dreg:$0xd];
	v3 =	vadd.s32 v1, v3  }
0x45: {  	[tilespmem:s8], [sflag:$0x1] =	stream.indirect_vreg.gather [hbm4b:s1+s3], $0x80, v4, vm0, $0xb8;
	[tilespmem:$0xC080] =	vst v63  }
0x46: {  	s8 =	simm.s32 $0x3880  }
0x47: {  	[tilespmem:s8], [sflag:$0x1] =	stream.indirect_vreg.gather [hbm4b:s4+s3], $0x80, v4, vm1, $0xb8;
	[tilespmem:$0xC080] =	vst v63  }
0x48: {  	_ = 	snop  }
0x49: {  	[tilespmem:s9], [sflag:$0x1] =	stream.indirect_vreg.gather [hbm4b:s1+s3], $0x80, v3, vm0, $0xb8;
	[tilespmem:$0xC080] =	vst v63  }
0x4a: {  	_ = 	snop  }
0x4b: {  	[tilespmem:s10], [sflag:$0x1] =	stream.indirect_vreg.gather [hbm4b:s4+s3], $0x80, v3, vm1, $0xb8;
	[tilespmem:$0xC080] =	vst v63  }
0x4c: {  	v3 =	vld [tilespmem:$0x30];
	_ =	sdelay $0x4  }
0x4d: {  	v59 =	vshrl.u32 v3, $0x3  }
0x4e: {  	v4 =	vmul.u32 $0x18, v59  }
0x4f: {  	v3 =	vand.u32 $0x7, v3  }
0x50: {  	v3 =	vor.u32 v3, v4  }
0x51: {  	v4 =	vperm.xlane v3, v0;
	_ =	sdelay $0x1  }
0x52: {  	v4 =	vadd.s32 v1, v4;
	_ =	sdelay $0x1  }
0x53: {  	v3 =	vperm.xlane v3, v2;
	_ =	sdelay $0x1  }
0x54: {  	v3 =	vadd.s32 v1, v3  }
0x55: {  	[tilespmem:s11], [sflag:$0x1] =	stream.indirect_vreg.gather [hbm4b:s1+s3], $0x80, v4, vm0, $0xb8;
	[tilespmem:$0xC080] =	vst v63  }
0x56: {  	_ = 	snop  }
0x57: {  	[tilespmem:s12], [sflag:$0x1] =	stream.indirect_vreg.gather [hbm4b:s4+s3], $0x80, v4, vm1, $0xb8;
	[tilespmem:$0xC080] =	vst v63  }
0x58: {  	_ = 	snop  }
0x59: {  	[tilespmem:s13], [sflag:$0x1] =	stream.indirect_vreg.gather [hbm4b:s1+s3], $0x80, v3, vm0, $0xb8;
	[tilespmem:$0xC080] =	vst v63  }
0x5a: {  	_ = 	snop  }
0x5b: {  	[tilespmem:s14], [sflag:$0x1] =	stream.indirect_vreg.gather [hbm4b:s4+s3], $0x80, v3, vm1, $0xb8;
	[tilespmem:$0xC080] =	vst v63  }
0x5c: {  	v3 =	vld [tilespmem:$0x40];
	_ =	sdelay $0x4  }
0x5d: {  	v60 =	vshrl.u32 v3, $0x3  }
0x5e: {  	v4 =	vmul.u32 $0x18, v60  }
0x5f: {  	v3 =	vand.u32 $0x7, v3  }
0x60: {  	v3 =	vor.u32 v3, v4  }
0x61: {  	v4 =	vperm.xlane v3, v0;
	_ =	sdelay $0x1  }
0x62: {  	v4 =	vadd.s32 v1, v4;
	_ =	sdelay $0x1  }
0x63: {  	v3 =	vperm.xlane v3, v2;
	_ =	sdelay $0x1  }
0x64: {  	v3 =	vadd.s32 v1, v3  }
0x65: {  	[tilespmem:s15], [sflag:$0x1] =	stream.indirect_vreg.gather [hbm4b:s1+s3], $0x80, v4, vm0, $0xb8;
	[tilespmem:$0xC080] =	vst v63  }
0x66: {  	_ = 	snop  }
0x67: {  	[tilespmem:s16], [sflag:$0x1] =	stream.indirect_vreg.gather [hbm4b:s4+s3], $0x80, v4, vm1, $0xb8;
	[tilespmem:$0xC080] =	vst v63  }
0x68: {  	_ = 	snop  }
0x69: {  	[tilespmem:s17], [sflag:$0x1] =	stream.indirect_vreg.gather [hbm4b:s1+s3], $0x80, v3, vm0, $0xb8;
	[tilespmem:$0xC080] =	vst v63  }
0x6a: {  	_ = 	snop  }
0x6b: {  	[tilespmem:s18], [sflag:$0x1] =	stream.indirect_vreg.gather [hbm4b:s4+s3], $0x80, v3, vm1, $0xb8;
	[tilespmem:$0xC080] =	vst v63  }
0x6c: {  	v3 =	vld [tilespmem:$0x50];
	_ =	sdelay $0x4  }
0x6d: {  	v61 =	vshrl.u32 v3, $0x3  }
0x6e: {  	v4 =	vmul.u32 $0x18, v61  }
0x6f: {  	v3 =	vand.u32 $0x7, v3  }
0x70: {  	v3 =	vor.u32 v3, v4  }
0x71: {  	v4 =	vperm.xlane v3, v0;
	_ =	sdelay $0x1  }
0x72: {  	v4 =	vadd.s32 v1, v4;
	_ =	sdelay $0x1  }
0x73: {  	v3 =	vperm.xlane v3, v2;
	_ =	sdelay $0x1  }
0x74: {  	v3 =	vadd.s32 v1, v3  }
0x75: {  	[tilespmem:s19], [sflag:$0x1] =	stream.indirect_vreg.gather [hbm4b:s1+s3], $0x80, v4, vm0, $0xb8;
	[tilespmem:$0xC080] =	vst v63  }
0x76: {  	_ = 	snop  }
0x77: {  	[tilespmem:s20], [sflag:$0x1] =	stream.indirect_vreg.gather [hbm4b:s4+s3], $0x80, v4, vm1, $0xb8;
	[tilespmem:$0xC080] =	vst v63  }
0x78: {  	_ = 	snop  }
0x79: {  	[tilespmem:s21], [sflag:$0x1] =	stream.indirect_vreg.gather [hbm4b:s1+s3], $0x80, v3, vm0, $0xb8;
	[tilespmem:$0xC080] =	vst v63  }
0x7a: {  	_ = 	snop  }
0x7b: {  	[tilespmem:s22], [sflag:$0x1] =	stream.indirect_vreg.gather [hbm4b:s4+s3], $0x80, v3, vm1, $0xb8;
	[tilespmem:$0xC080] =	vst v63  }
0x7c: {  	v3 =	vld [tilespmem:$0x60];
	_ =	sdelay $0x4  }
0x7d: {  	v62 =	vshrl.u32 v3, $0x3  }
0x7e: {  	v4 =	vmul.u32 $0x18, v62  }
0x7f: {  	v3 =	vand.u32 $0x7, v3  }
0x80: {  	v3 =	vor.u32 v3, v4  }
0x81: {  	v4 =	vperm.xlane v3, v0;
	_ =	sdelay $0x1  }
0x82: {  	v4 =	vadd.s32 v1, v4;
	_ =	sdelay $0x1  }
0x83: {  	v3 =	vperm.xlane v3, v2;
	_ =	sdelay $0x1  }
0x84: {  	v3 =	vadd.s32 v1, v3  }
0x85: {  	[tilespmem:s23], [sflag:$0x1] =	stream.indirect_vreg.gather [hbm4b:s1+s3], $0x80, v4, vm0, $0xb8;
	[tilespmem:$0xC080] =	vst v63  }
0x86: {  	_ = 	snop  }
0x87: {  	[tilespmem:s24], [sflag:$0x1] =	stream.indirect_vreg.gather [hbm4b:s4+s3], $0x80, v4, vm1, $0xb8;
	[tilespmem:$0xC080] =	vst v63  }
0x88: {  	_ = 	snop  }
0x89: {  	[tilespmem:s25], [sflag:$0x1] =	stream.indirect_vreg.gather [hbm4b:s1+s3], $0x80, v3, vm0, $0xb8;
	[tilespmem:$0xC080] =	vst v63  }
0x8a: {  	_ = 	snop  }
0x8b: {  	[tilespmem:s26], [sflag:$0x1] =	stream.indirect_vreg.gather [hbm4b:s4+s3], $0x80, v3, vm1, $0xb8;
	[tilespmem:$0xC080] =	vst v63  }
0x8c: {  	v3 =	vld [tilespmem:$0x70];
	_ =	sdelay $0x4  }
0x8d: {  	v63 =	vshrl.u32 v3, $0x3  }
0x8e: {  	v4 =	vmul.u32 $0x18, v63  }
0x8f: {  	v3 =	vand.u32 $0x7, v3  }
0x90: {  	v3 =	vor.u32 v3, v4  }
0x91: {  	v4 =	vperm.xlane v3, v0;
	_ =	sdelay $0x1  }
0x92: {  	v4 =	vadd.s32 v1, v4;
	_ =	sdelay $0x1  }
0x93: {  	v3 =	vperm.xlane v3, v2;
	_ =	sdelay $0x1  }
0x94: {  	v3 =	vadd.s32 v1, v3  }
0x95: {  	[tilespmem:s28], [sflag:$0x1] =	stream.indirect_vreg.gather [hbm4b:s1+s3], $0x80, v4, vm0, $0xb8;
	[tilespmem:$0xC080] =	vst v63  }
0x96: {  	_ = 	snop  }
0x97: {  	[tilespmem:s29], [sflag:$0x1] =	stream.indirect_vreg.gather [hbm4b:s4+s3], $0x80, v4, vm1, $0xb8;
	[tilespmem:$0xC080] =	vst v63  }
0x98: {  	_ = 	snop  }
0x99: {  	[tilespmem:s30], [sflag:$0x1] =	stream.indirect_vreg.gather [hbm4b:s1+s3], $0x80, v3, vm0, $0xb8;
	[tilespmem:$0xC080] =	vst v63  }
0x9a: {  	_ = 	snop  }
0x9b: {  	[tilespmem:s31], [sflag:$0x1] =	stream.indirect_vreg.gather [hbm4b:s4+s3], $0x80, v3, vm1, $0xb8;
	[tilespmem:$0xC080] =	vst v63  }
0x9c: {  	_ =	swait.ge [sflag:s2], $0xC000  }
0x9d: {  	p0 =	sne.s32 s5, $0x1;
	[sflag:s2] =	ssyncset.done $0x0  }
.Ltmp0:
0x9e: {  	s8 =	rddreg [dreg:$0x5];
	[sflag:s2] =	ssyncadd.s32 $0xFFFF4000;
	(pc) =	sbr.rel @p0 .LBB2_1-.Ltmp0, $4  }
0x9f: {  	[hbm4b:s8+s3] =	stream.linear.scatter [tilespmem:s7], [sflag:$0x2], $0xC000, $0x38;
	[tilespmem:$0xC080] =	vst v63  }
0xa0: {  	_ =	swait.ge [sflag:s6], $0xC000  }
0xa1: {  	[sflag:s6] =	ssyncset.done $0x0  }
0xa2: {  	s5 =	sadd.s32 $0xFFFFFFFF, s5;
	[sflag:s6] =	ssyncadd.s32 $0xFFFF4000  }
0xa3: {  	_ =	sfence.sel $0x180000  }
0xa4: {  	[bflag:$0x0] =	sbarrier.arrive $0xFFFF  }
0xa5: {  	_ =	strace $0x90000047  }
0xa6: {  	s0 =	stileid.u32;
	[bflag:$0x2] =	sbarrier.arrive $0xFFFF  }
0xa7: {  	p0 =	sne.s32 s0, $0x0;
	s0 =	rddreg [dreg:$0x3]  }
0xa8: {  	s0 =	sadd.s32 @!p0 $0x100000, s0  }
0xa9: {  	[sflag:s0] =	ssyncadd.tile.s32 @!p0 $0x1;
	_ =	shalt  }
.Lfunc_end2:
_tile_overlayer_lowered:
.L_overlay_start_2:
0xaa: {  	(tag) =	ssettag $0x2  }
0xab: {  	s0 =	rddreg [dreg:$0x0];
	s2 =	stileid.u32  }
0xac: {  	s1 =	rddreg [dreg:$0x1];
	p0 =	sne.s32 s2, $0x0  }
0xad: {  	s3 =	rddreg [dreg:$0x2];
	[bflag:$0x3] =	sbarrier.arrive $0xFFFF;
	s2 =	simm.s32 @!p0 $0x1C02  }
0xae: {  	[timem:s3], [sflag:s2] =	dma.local @!p0 [hbm:s0], s1  }
0xaf: {  	s0 =	simm.s32 @!p0 $0x2  }
0xb0: {  	_ =	swait.ge @!p0 [sflag:s0], s1  }
0xb1: {  	s1 =	ssub.s32 @!p0 $0x0, s1;
	[sflag:s0] =	ssyncset.done @!p0 $0x0  }
0xb2: {  	[sflag:s0] =	ssyncadd.s32 @!p0 s1  }
0xb3: {  	[bflag:$0x3] =	sbarrier.arrive $0xFFFF  }
0xb4: {  	_ =	shalt  }

</sc_bundles>
